<compile_context>
chip_gen: v7x
topology: tpu7x:2x2x1
jax: 0.10.2.dev20260603
libtpu: 0.0.44.dev20260713+nightly
codegen_flags: <defaults>
</compile_context>

<pallas_src>
import jax
import jax.numpy as jnp
from jax import lax
from jax.experimental import pallas as pl
from jax.experimental.pallas import tpu as pltpu
from jax.experimental.pallas import tpu_sc as plsc

NC = 2
NS = 16
NW = NC * NS
LANES = 16

_N = 10000
_E = 320000
_H = 128
_W32 = _H // 2
_EPW = _E // NW
_C = 80
_NCH = _EPW // _C
_RPS = _N // NS
_BR = 1000
_BRE = 4000


def _bdot(a, b):
    return jnp.dot(a, b, preferred_element_type=jnp.float32)



def _tc_comb_body(p_ref, x_ref, wr_ref, wo_ref, b_ref, h_ref):
    agg = (p_ref[0] + p_ref[1]).astype(jnp.bfloat16)
    xq = x_ref[...].astype(jnp.bfloat16)
    h = jnp.maximum(
        _bdot(agg, wr_ref[...]) + b_ref[...] + _bdot(xq, wo_ref[...]), 0.0)
    h_ref[...] = h.astype(h_ref.dtype)


def _tc_comb(p, x, wr_t, wo_t, b_row, out_dtype):
    grid = _N // _BR
    return pl.pallas_call(
        _tc_comb_body,
        grid=(grid,),
        in_specs=[
            pl.BlockSpec((NC, _BR, _H), lambda i: (0, i, 0)),
            pl.BlockSpec((_BR, _H), lambda i: (i, 0)),
            pl.BlockSpec((_H, _H), lambda i: (0, 0)),
            pl.BlockSpec((_H, _H), lambda i: (0, 0)),
            pl.BlockSpec((1, _H), lambda i: (0, 0)),
        ],
        out_specs=pl.BlockSpec((_BR, _H), lambda i: (i, 0)),
        out_shape=jax.ShapeDtypeStruct((_N, _H), out_dtype),
    )(p, x, wr_t, wo_t, b_row)


def _tc_edge_body(hs_ref, hd_ref, wml_ref, wmr_ref, wvl_ref, wvr_ref,
                  bm_ref, bv_ref, wbd_ref, b2_ref, out_ref):
    hs = hs_ref[...]
    hd = hd_ref[...]
    zm = jnp.maximum(_bdot(hs, wml_ref[...]) + bm_ref[...]
                     + _bdot(hd, wmr_ref[...]), 0.0)
    zv = jnp.maximum(_bdot(hs, wvl_ref[...]) + bv_ref[...]
                     + _bdot(hd, wvr_ref[...]), 0.0)
    zq = jnp.concatenate([zm.astype(jnp.bfloat16), zv.astype(jnp.bfloat16)],
                         axis=1)
    out = _bdot(zq, wbd_ref[...]) + b2_ref[...]
    mean = out[:, 0:1]
    var = jnp.exp(0.5 * out[:, 1:2])
    out_ref[...] = jnp.concatenate([mean, var], axis=1)


def _tc_edge(hs, hd, wml, wmr, wvl, wvr, bm_row, bv_row, wbd, b2_row):
    grid = _E // _BRE
    return pl.pallas_call(
        _tc_edge_body,
        grid=(grid,),
        in_specs=[
            pl.BlockSpec((_BRE, _H), lambda i: (i, 0)),
            pl.BlockSpec((_BRE, _H), lambda i: (i, 0)),
            pl.BlockSpec((_H, _H), lambda i: (0, 0)),
            pl.BlockSpec((_H, _H), lambda i: (0, 0)),
            pl.BlockSpec((_H, _H), lambda i: (0, 0)),
            pl.BlockSpec((_H, _H), lambda i: (0, 0)),
            pl.BlockSpec((1, _H), lambda i: (0, 0)),
            pl.BlockSpec((1, _H), lambda i: (0, 0)),
            pl.BlockSpec((2 * _H, 2), lambda i: (0, 0)),
            pl.BlockSpec((1, 2), lambda i: (0, 0)),
        ],
        out_specs=pl.BlockSpec((_BRE, 2), lambda i: (i, 0)),
        out_shape=jax.ShapeDtypeStruct((_E, 2), jnp.float32),
    )(hs, hd, wml, wmr, wvl, wvr, bm_row, bv_row, wbd, b2_row)



def _sc_segsum_body(y_hbm, sidx_hbm, didx_hbm, zeros_hbm, out_hbm,
                    sidx_v, didx_v, rows_v, agg_sh):
    cid = lax.axis_index("c")
    sid = lax.axis_index("s")
    wid = cid * NS + sid
    pltpu.sync_copy(zeros_hbm, agg_sh.at[pl.ds(sid * _RPS, _RPS)])
    pltpu.sync_copy(sidx_hbm.at[wid], sidx_v)
    pltpu.sync_copy(didx_hbm.at[wid], didx_v)
    plsc.subcore_barrier()

    def chunk(i, carry):
        pltpu.sync_copy(y_hbm.at[sidx_v.at[i]], rows_v)
        pltpu.sync_copy(rows_v, agg_sh.at[didx_v.at[i]], add=True)
        return carry

    lax.fori_loop(0, _NCH, chunk, 0)
    plsc.subcore_barrier()
    pltpu.sync_copy(agg_sh.at[pl.ds(sid * _RPS, _RPS)],
                    out_hbm.at[cid, pl.ds(sid * _RPS, _RPS)])


def _sc_segsum(y, sidx_r, didx_r, zeros_stripe):
    mesh = plsc.VectorSubcoreMesh(core_axis_name="c", subcore_axis_name="s")
    fn = pl.kernel(
        _sc_segsum_body,
        out_type=jax.ShapeDtypeStruct((NC, _N, _H), jnp.float32),
        mesh=mesh,
        scratch_types=[
            pltpu.VMEM((_NCH, _C), jnp.int32),
            pltpu.VMEM((_NCH, _C), jnp.int32),
            pltpu.VMEM((_C, _H), jnp.float32),
            pltpu.VMEM_SHARED((_N, _H), jnp.float32),
        ],
        compiler_params=pltpu.CompilerParams(use_tc_tiling_on_sc=False,
                                             needs_layout_passes=False),
    )
    return fn(y, sidx_r, didx_r, zeros_stripe)



def _sc_gather_body(tab_hbm, sidx_hbm, didx_hbm, hs_hbm, hd_hbm,
                    sidx_v, didx_v, bufA, bufB):
    cid = lax.axis_index("c")
    sid = lax.axis_index("s")
    wid = cid * NS + sid
    pltpu.sync_copy(sidx_hbm.at[wid], sidx_v)
    pltpu.sync_copy(didx_hbm.at[wid], didx_v)

    def chunk(i, carry):
        base = wid * _EPW + i * _C
        pltpu.sync_copy(tab_hbm.at[sidx_v.at[i]], bufA)
        pltpu.sync_copy(tab_hbm.at[didx_v.at[i]], bufB)
        pltpu.sync_copy(bufA, hs_hbm.at[pl.ds(base, _C)])
        pltpu.sync_copy(bufB, hd_hbm.at[pl.ds(base, _C)])
        return carry

    lax.fori_loop(0, _NCH, chunk, 0)


def _sc_gather(tab_bf16, sidx_r, didx_r):
    mesh = plsc.VectorSubcoreMesh(core_axis_name="c", subcore_axis_name="s")
    fn = pl.kernel(
        _sc_gather_body,
        out_type=[
            jax.ShapeDtypeStruct((_E, _H), jnp.bfloat16),
            jax.ShapeDtypeStruct((_E, _H), jnp.bfloat16),
        ],
        mesh=mesh,
        scratch_types=[
            pltpu.VMEM((_NCH, _C), jnp.int32),
            pltpu.VMEM((_NCH, _C), jnp.int32),
            pltpu.VMEM((_C, _H), jnp.bfloat16),
            pltpu.VMEM((_C, _H), jnp.bfloat16),
        ],
        compiler_params=pltpu.CompilerParams(use_tc_tiling_on_sc=False,
                                             needs_layout_passes=False),
    )
    return fn(tab_bf16, sidx_r, didx_r)



def kernel(x, edge_index, W1_rel, b1_rel, W1_root, W2_rel, b2_rel, W2_root,
           Wm1, bm1, Wm2, bm2, Wv1, bv1, Wv2, bv2):
    H = _H
    src = edge_index[0].astype(jnp.int32)
    dst = edge_index[1].astype(jnp.int32)
    sidx_r = src.reshape(NW, _NCH, _C)
    didx_r = dst.reshape(NW, _NCH, _C)
    zeros_stripe = jnp.zeros((_RPS, _H), jnp.float32)

    def bq(w):
        return w.astype(jnp.bfloat16)

    p1 = _sc_segsum(x, sidx_r, didx_r, zeros_stripe)
    h1 = _tc_comb(p1, x, bq(W1_rel.T), bq(W1_root.T), b1_rel.reshape(1, H),
                  jnp.float32)

    p2 = _sc_segsum(h1, sidx_r, didx_r, zeros_stripe)
    h2q = _tc_comb(p2, h1, bq(W2_rel.T), bq(W2_root.T), b2_rel.reshape(1, H),
                   jnp.bfloat16)

    if True:
        return (h2q[:1, 0:1].astype(jnp.float32), h2q[:1, 0:1].astype(jnp.float32))
    hs, hd = _sc_gather(h2q, sidx_r, didx_r)

    wbd = jnp.zeros((2 * H, 2), jnp.float32)
    wbd = wbd.at[:H, 0].set(Wm2[0]).at[H:, 1].set(Wv2[0])
    b2_row = jnp.stack([bm2[0], bv2[0]]).reshape(1, 2)
    if True:
        return (hs[:, 0:1].astype(jnp.float32),
                hd[:, 0:1].astype(jnp.float32))
    out = _tc_edge(hs, hd,
                   bq(Wm1[:, :H].T), bq(Wm1[:, H:].T),
                   bq(Wv1[:, :H].T), bq(Wv1[:, H:].T),
                   bm1.reshape(1, H), bv1.reshape(1, H),
                   bq(wbd), b2_row)
    return out[:, 0:1], out[:, 1:2]

# --- scband reference (transcript-rebuilt; emitter-appended) ---
"""Pipeline reference for scband-edge-value-predictor-78761110274681 (READ-ONLY COPY).

The authoritative reference and input builder live on the scoring server;
editing this copy changes nothing except your own understanding.
"""

import jax, jax.numpy as jnp
import numpy as np

N = 10000
E = 320000
D = 128
H = 128


def setup_inputs(seed: int = 0) -> dict:
    key = jax.random.key(seed)
    ks = jax.random.split(key, 18)
    s = 0.05
    return {
        "x": jax.random.normal(ks[0], (N, D), dtype=jnp.float32),
        "edge_index": jax.random.randint(ks[1], (2, E), 0, N, dtype=jnp.int64),
        "W1_rel": jax.random.normal(ks[2], (H, D), dtype=jnp.float32) * s,
        "b1_rel": jnp.zeros((H,), dtype=jnp.float32),
        "W1_root": jax.random.normal(ks[3], (H, D), dtype=jnp.float32) * s,
        "W2_rel": jax.random.normal(ks[4], (H, H), dtype=jnp.float32) * s,
        "b2_rel": jnp.zeros((H,), dtype=jnp.float32),
        "W2_root": jax.random.normal(ks[5], (H, H), dtype=jnp.float32) * s,
        "Wm1": jax.random.normal(ks[6], (H, 2 * H), dtype=jnp.float32) * s,
        "bm1": jnp.zeros((H,), dtype=jnp.float32),
        "Wm2": jax.random.normal(ks[7], (1, H), dtype=jnp.float32) * s,
        "bm2": jnp.zeros((1,), dtype=jnp.float32),
        "Wv1": jax.random.normal(ks[8], (H, 2 * H), dtype=jnp.float32) * s,
        "bv1": jnp.zeros((H,), dtype=jnp.float32),
        "Wv2": jax.random.normal(ks[9], (1, H), dtype=jnp.float32) * s,
        "bv2": jnp.zeros((1,), dtype=jnp.float32),
    }


def _graph_conv(x, src, dst, W_rel, b_rel, W_root):
    # PyG GraphConv (aggr='add'): out_i = lin_rel(sum_{j->i} x_j) + lin_root(x_i)
    agg = jax.ops.segment_sum(x[src], dst, num_segments=x.shape[0])
    return agg @ W_rel.T + b_rel + x @ W_root.T


def reference(x, edge_index, W1_rel, b1_rel, W1_root, W2_rel, b2_rel, W2_root,
              Wm1, bm1, Wm2, bm2, Wv1, bv1, Wv2, bv2):
    src = edge_index[0]
    dst = edge_index[1]
    h = _graph_conv(x, src, dst, W1_rel, b1_rel, W1_root)
    h = jax.nn.relu(h)
    h = _graph_conv(h, src, dst, W2_rel, b2_rel, W2_root)
    h = jax.nn.relu(h)
    s_feat = h[src]
    d_feat = h[dst]
    combined = jnp.concatenate([s_feat, d_feat], axis=1)
    mean = jax.nn.relu(combined @ Wm1.T + bm1) @ Wm2.T + bm2
    logvar = jax.nn.relu(combined @ Wv1.T + bv1) @ Wv2.T + bv2
    var = jnp.exp(0.5 * logvar)
    return (mean, var)

if __name__ == "__main__":
    import jax
    _d = setup_inputs()
    print(jax.jit(kernel)(*tuple(_d.values())))

</pallas_src>

<mosaic_0001>
#map = affine_map<(d0, d1) -> (0, 0)>
#map1 = affine_map<(d0, d1) -> (0, 0, 0)>
module attributes {stable_mosaic.version = 14 : i64} {
  func.func @_sc_segsum_body(%arg0: i32, %arg1: i32, %arg2: memref<10000x128xf32, #tpu.memory_space<hbm>>, %arg3: memref<32x125x80xi32, #tpu.memory_space<hbm>>, %arg4: memref<32x125x80xi32, #tpu.memory_space<hbm>>, %arg5: memref<625x128xf32, #tpu.memory_space<hbm>>, %arg6: memref<2x10000x128xf32, #tpu.memory_space<hbm>>, %arg7: memref<125x80xi32, #tpu.memory_space<vmem>>, %arg8: memref<125x80xi32, #tpu.memory_space<vmem>>, %arg9: memref<80x128xf32, #tpu.memory_space<vmem>>, %arg10: memref<10000x128xf32, #tpu.memory_space<vmem_shared>>) attributes {dimension_semantics = [#tpu.dimension_semantics<core_parallel>, #tpu.dimension_semantics<subcore_parallel>], iteration_bounds = array<i64: 2, 16>, scalar_prefetch = 0 : i64, scratch_operands = 4 : i64, tpu.core_type = #tpu.core_type<sc_vector_subcore>, window_params = [{transform_indices = #map}, {transform_indices = #map1}, {transform_indices = #map1}, {transform_indices = #map}, {transform_indices = #map1}]} {
    %mul3A = arith.constant 16 : i32
    %mul3A_0 = arith.muli %arg0, %mul3A : i32
    %add3A = arith.addi %mul3A_0, %arg1 : i32
    %mul3A_1 = arith.constant 625 : i32
    %mul3A_2 = arith.muli %arg1, %mul3A_1 : i32
    "tpu.region"() ({
      %run_scoped3A = tpu.sem_alloc : memref<!tpu.dma_semaphore, #tpu.memory_space<semaphore_mem>>
      %dma_start3A = arith.constant 0 : i32
      %dma_start3A_13 = tpu.memref_slice %arg10[%mul3A_2, %dma_start3A] : memref<10000x128xf32, #tpu.memory_space<vmem_shared>> -> memref<625x128xf32, #tpu.memory_space<vmem_shared>>
      tpu.enqueue_dma source(%arg5 : memref<625x128xf32, #tpu.memory_space<hbm>>) target(%dma_start3A_13 : memref<625x128xf32, #tpu.memory_space<vmem_shared>>) target_semaphore(%run_scoped3A : memref<!tpu.dma_semaphore, #tpu.memory_space<semaphore_mem>>)
      %dma_wait3A = arith.constant 0 : i32
      %dma_wait3A_14 = tpu.memref_slice %arg10[%mul3A_2, %dma_wait3A] : memref<10000x128xf32, #tpu.memory_space<vmem_shared>> -> memref<625x128xf32, #tpu.memory_space<vmem_shared>>
      tpu.wait_dma2 semaphore(%run_scoped3A : memref<!tpu.dma_semaphore, #tpu.memory_space<semaphore_mem>>) src(%arg5 : memref<625x128xf32, #tpu.memory_space<hbm>>) dst(%dma_wait3A_14 : memref<625x128xf32, #tpu.memory_space<vmem_shared>>)
      tpu.yield
    }) : () -> ()
    "tpu.region"() ({
      %run_scoped3A = tpu.sem_alloc : memref<!tpu.dma_semaphore, #tpu.memory_space<semaphore_mem>>
      %dma_start3A = arith.constant 0 : i32
      %dma_start3A_13 = arith.constant 0 : i32
      %dma_start3A_14 = tpu.memref_slice %arg3[%add3A, %dma_start3A, %dma_start3A_13] : memref<32x125x80xi32, #tpu.memory_space<hbm>> -> memref<1x125x80xi32, #tpu.memory_space<hbm>>
      %dma_start3A_15 = tpu.memref_squeeze %dma_start3A_14 : memref<1x125x80xi32, #tpu.memory_space<hbm>> -> memref<125x80xi32, #tpu.memory_space<hbm>>
      %dma_start3A_16 = arith.constant 0 : i32
      %dma_start3A_17 = arith.constant 0 : i32
      %dma_start3A_18 = tpu.memref_slice %arg3[%add3A, %dma_start3A_16, %dma_start3A_17] : memref<32x125x80xi32, #tpu.memory_space<hbm>> -> memref<1x125x80xi32, #tpu.memory_space<hbm>>
      %dma_start3A_19 = tpu.memref_squeeze %dma_start3A_18 : memref<1x125x80xi32, #tpu.memory_space<hbm>> -> memref<125x80xi32, #tpu.memory_space<hbm>>
      tpu.enqueue_dma source(%dma_start3A_19 : memref<125x80xi32, #tpu.memory_space<hbm>>) target(%arg7 : memref<125x80xi32, #tpu.memory_space<vmem>>) target_semaphore(%run_scoped3A : memref<!tpu.dma_semaphore, #tpu.memory_space<semaphore_mem>>)
      %dma_wait3A = arith.constant 0 : i32
      %dma_wait3A_20 = arith.constant 0 : i32
      %dma_wait3A_21 = tpu.memref_slice %arg3[%add3A, %dma_wait3A, %dma_wait3A_20] : memref<32x125x80xi32, #tpu.memory_space<hbm>> -> memref<1x125x80xi32, #tpu.memory_space<hbm>>
      %dma_wait3A_22 = tpu.memref_squeeze %dma_wait3A_21 : memref<1x125x80xi32, #tpu.memory_space<hbm>> -> memref<125x80xi32, #tpu.memory_space<hbm>>
      %dma_wait3A_23 = arith.constant 0 : i32
      %dma_wait3A_24 = arith.constant 0 : i32
      %dma_wait3A_25 = tpu.memref_slice %arg3[%add3A, %dma_wait3A_23, %dma_wait3A_24] : memref<32x125x80xi32, #tpu.memory_space<hbm>> -> memref<1x125x80xi32, #tpu.memory_space<hbm>>
      %dma_wait3A_26 = tpu.memref_squeeze %dma_wait3A_25 : memref<1x125x80xi32, #tpu.memory_space<hbm>> -> memref<125x80xi32, #tpu.memory_space<hbm>>
      tpu.wait_dma2 semaphore(%run_scoped3A : memref<!tpu.dma_semaphore, #tpu.memory_space<semaphore_mem>>) src(%dma_wait3A_26 : memref<125x80xi32, #tpu.memory_space<hbm>>) dst(%arg7 : memref<125x80xi32, #tpu.memory_space<vmem>>)
      tpu.yield
    }) : () -> ()
    "tpu.region"() ({
      %run_scoped3A = tpu.sem_alloc : memref<!tpu.dma_semaphore, #tpu.memory_space<semaphore_mem>>
      %dma_start3A = arith.constant 0 : i32
      %dma_start3A_13 = arith.constant 0 : i32
      %dma_start3A_14 = tpu.memref_slice %arg4[%add3A, %dma_start3A, %dma_start3A_13] : memref<32x125x80xi32, #tpu.memory_space<hbm>> -> memref<1x125x80xi32, #tpu.memory_space<hbm>>
      %dma_start3A_15 = tpu.memref_squeeze %dma_start3A_14 : memref<1x125x80xi32, #tpu.memory_space<hbm>> -> memref<125x80xi32, #tpu.memory_space<hbm>>
      %dma_start3A_16 = arith.constant 0 : i32
      %dma_start3A_17 = arith.constant 0 : i32
      %dma_start3A_18 = tpu.memref_slice %arg4[%add3A, %dma_start3A_16, %dma_start3A_17] : memref<32x125x80xi32, #tpu.memory_space<hbm>> -> memref<1x125x80xi32, #tpu.memory_space<hbm>>
      %dma_start3A_19 = tpu.memref_squeeze %dma_start3A_18 : memref<1x125x80xi32, #tpu.memory_space<hbm>> -> memref<125x80xi32, #tpu.memory_space<hbm>>
      tpu.enqueue_dma source(%dma_start3A_19 : memref<125x80xi32, #tpu.memory_space<hbm>>) target(%arg8 : memref<125x80xi32, #tpu.memory_space<vmem>>) target_semaphore(%run_scoped3A : memref<!tpu.dma_semaphore, #tpu.memory_space<semaphore_mem>>)
      %dma_wait3A = arith.constant 0 : i32
      %dma_wait3A_20 = arith.constant 0 : i32
      %dma_wait3A_21 = tpu.memref_slice %arg4[%add3A, %dma_wait3A, %dma_wait3A_20] : memref<32x125x80xi32, #tpu.memory_space<hbm>> -> memref<1x125x80xi32, #tpu.memory_space<hbm>>
      %dma_wait3A_22 = tpu.memref_squeeze %dma_wait3A_21 : memref<1x125x80xi32, #tpu.memory_space<hbm>> -> memref<125x80xi32, #tpu.memory_space<hbm>>
      %dma_wait3A_23 = arith.constant 0 : i32
      %dma_wait3A_24 = arith.constant 0 : i32
      %dma_wait3A_25 = tpu.memref_slice %arg4[%add3A, %dma_wait3A_23, %dma_wait3A_24] : memref<32x125x80xi32, #tpu.memory_space<hbm>> -> memref<1x125x80xi32, #tpu.memory_space<hbm>>
      %dma_wait3A_26 = tpu.memref_squeeze %dma_wait3A_25 : memref<1x125x80xi32, #tpu.memory_space<hbm>> -> memref<125x80xi32, #tpu.memory_space<hbm>>
      tpu.wait_dma2 semaphore(%run_scoped3A : memref<!tpu.dma_semaphore, #tpu.memory_space<semaphore_mem>>) src(%dma_wait3A_26 : memref<125x80xi32, #tpu.memory_space<hbm>>) dst(%arg8 : memref<125x80xi32, #tpu.memory_space<vmem>>)
      tpu.yield
    }) : () -> ()
    %barrier3A = arith.constant 0 : index
    tpu.barrier barrier_id(%barrier3A)
    %scan3A = arith.constant 0 : i32
    %scan3A_3 = arith.constant 0 : i32
    %scan3A_4 = arith.constant 125 : i32
    %scan3A_5 = arith.addi %scan3A_3, %scan3A_4 : i32
    %scan3A_6 = arith.constant 1 : i32
    scf.for %scan3A_13 = %scan3A_3 to %scan3A_5 step %scan3A_6  : i32 {
      "tpu.region"() ({
        %run_scoped3A = tpu.sem_alloc : memref<!tpu.dma_semaphore, #tpu.memory_space<semaphore_mem>>
        %dma_start3A = arith.constant 0 : i32
        %dma_start3A_14 = tpu.memref_slice %arg7[%scan3A_13, %dma_start3A] : memref<125x80xi32, #tpu.memory_space<vmem>> -> memref<1x80xi32, #tpu.memory_space<vmem>>
        %dma_start3A_15 = tpu.memref_squeeze %dma_start3A_14 : memref<1x80xi32, #tpu.memory_space<vmem>> -> memref<80xi32, #tpu.memory_space<vmem>>
        %dma_start3A_16 = arith.constant 0 : i32
        %dma_start3A_17 = arith.constant 0 : i32
        %dma_start3A_18 = tpu.memref_slice %arg2[%dma_start3A_16, %dma_start3A_17] : memref<10000x128xf32, #tpu.memory_space<hbm>> -> memref<10000x128xf32, #tpu.memory_space<hbm>>
        tpu.enqueue_indirect_dma source(%dma_start3A_18 : memref<10000x128xf32, #tpu.memory_space<hbm>>) target(%arg9 : memref<80x128xf32, #tpu.memory_space<vmem>>) offsets(%dma_start3A_15 : memref<80xi32, #tpu.memory_space<vmem>>) semaphore(%run_scoped3A : memref<!tpu.dma_semaphore, #tpu.memory_space<semaphore_mem>>)
        %dma_wait3A = arith.constant 0 : i32
        %dma_wait3A_19 = tpu.memref_slice %arg7[%scan3A_13, %dma_wait3A] : memref<125x80xi32, #tpu.memory_space<vmem>> -> memref<1x80xi32, #tpu.memory_space<vmem>>
        %dma_wait3A_20 = tpu.memref_squeeze %dma_wait3A_19 : memref<1x80xi32, #tpu.memory_space<vmem>> -> memref<80xi32, #tpu.memory_space<vmem>>
        %dma_wait3A_21 = arith.constant 0 : i32
        %dma_wait3A_22 = arith.constant 0 : i32
        %dma_wait3A_23 = tpu.memref_slice %arg2[%dma_wait3A_21, %dma_wait3A_22] : memref<10000x128xf32, #tpu.memory_space<hbm>> -> memref<10000x128xf32, #tpu.memory_space<hbm>>
        tpu.wait_indirect_dma semaphore(%run_scoped3A : memref<!tpu.dma_semaphore, #tpu.memory_space<semaphore_mem>>) src(%dma_wait3A_23 : memref<10000x128xf32, #tpu.memory_space<hbm>>) dst(%arg9 : memref<80x128xf32, #tpu.memory_space<vmem>>)
        tpu.yield
      }) : () -> ()
      "tpu.region"() ({
        %run_scoped3A = tpu.sem_alloc : memref<!tpu.dma_semaphore, #tpu.memory_space<semaphore_mem>>
        %dma_start3A = arith.constant 0 : i32
        %dma_start3A_14 = tpu.memref_slice %arg8[%scan3A_13, %dma_start3A] : memref<125x80xi32, #tpu.memory_space<vmem>> -> memref<1x80xi32, #tpu.memory_space<vmem>>
        %dma_start3A_15 = tpu.memref_squeeze %dma_start3A_14 : memref<1x80xi32, #tpu.memory_space<vmem>> -> memref<80xi32, #tpu.memory_space<vmem>>
        %dma_start3A_16 = arith.constant 0 : i32
        %dma_start3A_17 = arith.constant 0 : i32
        %dma_start3A_18 = tpu.memref_slice %arg10[%dma_start3A_16, %dma_start3A_17] : memref<10000x128xf32, #tpu.memory_space<vmem_shared>> -> memref<10000x128xf32, #tpu.memory_space<vmem_shared>>
        tpu.enqueue_indirect_dma source(%arg9 : memref<80x128xf32, #tpu.memory_space<vmem>>) target(%dma_start3A_18 : memref<10000x128xf32, #tpu.memory_space<vmem_shared>>) offsets(%dma_start3A_15 : memref<80xi32, #tpu.memory_space<vmem>>) semaphore(%run_scoped3A : memref<!tpu.dma_semaphore, #tpu.memory_space<semaphore_mem>>) {add = true}
        %dma_wait3A = arith.constant 0 : i32
        %dma_wait3A_19 = tpu.memref_slice %arg8[%scan3A_13, %dma_wait3A] : memref<125x80xi32, #tpu.memory_space<vmem>> -> memref<1x80xi32, #tpu.memory_space<vmem>>
        %dma_wait3A_20 = tpu.memref_squeeze %dma_wait3A_19 : memref<1x80xi32, #tpu.memory_space<vmem>> -> memref<80xi32, #tpu.memory_space<vmem>>
        %dma_wait3A_21 = arith.constant 0 : i32
        %dma_wait3A_22 = arith.constant 0 : i32
        %dma_wait3A_23 = tpu.memref_slice %arg10[%dma_wait3A_21, %dma_wait3A_22] : memref<10000x128xf32, #tpu.memory_space<vmem_shared>> -> memref<10000x128xf32, #tpu.memory_space<vmem_shared>>
        tpu.wait_indirect_dma semaphore(%run_scoped3A : memref<!tpu.dma_semaphore, #tpu.memory_space<semaphore_mem>>) src(%arg9 : memref<80x128xf32, #tpu.memory_space<vmem>>) dst(%dma_wait3A_23 : memref<10000x128xf32, #tpu.memory_space<vmem_shared>>)
        tpu.yield
      }) : () -> ()
    }
    %scan3A_7 = arith.constant 125 : i32
    %barrier3A_8 = arith.constant 0 : index
    tpu.barrier barrier_id(%barrier3A_8)
    %mul3A_9 = arith.constant 625 : i32
    %mul3A_10 = arith.muli %arg1, %mul3A_9 : i32
    %mul3A_11 = arith.constant 625 : i32
    %mul3A_12 = arith.muli %arg1, %mul3A_11 : i32
    "tpu.region"() ({
      %run_scoped3A = tpu.sem_alloc : memref<!tpu.dma_semaphore, #tpu.memory_space<semaphore_mem>>
      %dma_start3A = arith.constant 0 : i32
      %dma_start3A_13 = tpu.memref_slice %arg6[%arg0, %mul3A_12, %dma_start3A] : memref<2x10000x128xf32, #tpu.memory_space<hbm>> -> memref<1x625x128xf32, #tpu.memory_space<hbm>>
      %dma_start3A_14 = tpu.memref_squeeze %dma_start3A_13 : memref<1x625x128xf32, #tpu.memory_space<hbm>> -> memref<625x128xf32, #tpu.memory_space<hbm>>
      %dma_start3A_15 = arith.constant 0 : i32
      %dma_start3A_16 = tpu.memref_slice %arg10[%mul3A_10, %dma_start3A_15] : memref<10000x128xf32, #tpu.memory_space<vmem_shared>> -> memref<625x128xf32, #tpu.memory_space<vmem_shared>>
      tpu.enqueue_dma source(%dma_start3A_16 : memref<625x128xf32, #tpu.memory_space<vmem_shared>>) target(%dma_start3A_14 : memref<625x128xf32, #tpu.memory_space<hbm>>) target_semaphore(%run_scoped3A : memref<!tpu.dma_semaphore, #tpu.memory_space<semaphore_mem>>)
      %dma_wait3A = arith.constant 0 : i32
      %dma_wait3A_17 = tpu.memref_slice %arg6[%arg0, %mul3A_12, %dma_wait3A] : memref<2x10000x128xf32, #tpu.memory_space<hbm>> -> memref<1x625x128xf32, #tpu.memory_space<hbm>>
      %dma_wait3A_18 = tpu.memref_squeeze %dma_wait3A_17 : memref<1x625x128xf32, #tpu.memory_space<hbm>> -> memref<625x128xf32, #tpu.memory_space<hbm>>
      %dma_wait3A_19 = arith.constant 0 : i32
      %dma_wait3A_20 = tpu.memref_slice %arg10[%mul3A_10, %dma_wait3A_19] : memref<10000x128xf32, #tpu.memory_space<vmem_shared>> -> memref<625x128xf32, #tpu.memory_space<vmem_shared>>
      tpu.wait_dma2 semaphore(%run_scoped3A : memref<!tpu.dma_semaphore, #tpu.memory_space<semaphore_mem>>) src(%dma_wait3A_20 : memref<625x128xf32, #tpu.memory_space<vmem_shared>>) dst(%dma_wait3A_18 : memref<625x128xf32, #tpu.memory_space<hbm>>)
      tpu.yield
    }) : () -> ()
    return
  }
}

#map = affine_map<(d0, d1) -> (0, 0)>
#map1 = affine_map<(d0, d1) -> (0, 0, 0)>
module attributes {stable_mosaic.version = 14 : i64} {
  func.func @_sc_segsum_body(%arg0: i32, %arg1: i32, %arg2: memref<10000x128xf32, #tpu.memory_space<hbm>>, %arg3: memref<32x125x80xi32, #tpu.memory_space<hbm>>, %arg4: memref<32x125x80xi32, #tpu.memory_space<hbm>>, %arg5: memref<625x128xf32, #tpu.memory_space<hbm>>, %arg6: memref<2x10000x128xf32, #tpu.memory_space<hbm>>, %arg7: memref<125x80xi32, #tpu.memory_space<vmem>>, %arg8: memref<125x80xi32, #tpu.memory_space<vmem>>, %arg9: memref<80x128xf32, #tpu.memory_space<vmem>>, %arg10: memref<10000x128xf32, #tpu.memory_space<vmem_shared>>) attributes {dimension_semantics = [#tpu.dimension_semantics<core_parallel>, #tpu.dimension_semantics<subcore_parallel>], iteration_bounds = array<i64: 2, 16>, scalar_prefetch = 0 : i64, scratch_operands = 4 : i64, tpu.core_type = #tpu.core_type<sc_vector_subcore>, window_params = [{transform_indices = #map}, {transform_indices = #map1}, {transform_indices = #map1}, {transform_indices = #map}, {transform_indices = #map1}]} {
    %mul3A = arith.constant 16 : i32
    %mul3A_0 = arith.muli %arg0, %mul3A : i32
    %add3A = arith.addi %mul3A_0, %arg1 : i32
    %mul3A_1 = arith.constant 625 : i32
    %mul3A_2 = arith.muli %arg1, %mul3A_1 : i32
    "tpu.region"() ({
      %run_scoped3A = tpu.sem_alloc : memref<!tpu.dma_semaphore, #tpu.memory_space<semaphore_mem>>
      %dma_start3A = arith.constant 0 : i32
      %dma_start3A_13 = tpu.memref_slice %arg10[%mul3A_2, %dma_start3A] : memref<10000x128xf32, #tpu.memory_space<vmem_shared>> -> memref<625x128xf32, #tpu.memory_space<vmem_shared>>
      tpu.enqueue_dma source(%arg5 : memref<625x128xf32, #tpu.memory_space<hbm>>) target(%dma_start3A_13 : memref<625x128xf32, #tpu.memory_space<vmem_shared>>) target_semaphore(%run_scoped3A : memref<!tpu.dma_semaphore, #tpu.memory_space<semaphore_mem>>)
      %dma_wait3A = arith.constant 0 : i32
      %dma_wait3A_14 = tpu.memref_slice %arg10[%mul3A_2, %dma_wait3A] : memref<10000x128xf32, #tpu.memory_space<vmem_shared>> -> memref<625x128xf32, #tpu.memory_space<vmem_shared>>
      tpu.wait_dma2 semaphore(%run_scoped3A : memref<!tpu.dma_semaphore, #tpu.memory_space<semaphore_mem>>) src(%arg5 : memref<625x128xf32, #tpu.memory_space<hbm>>) dst(%dma_wait3A_14 : memref<625x128xf32, #tpu.memory_space<vmem_shared>>)
      tpu.yield
    }) : () -> ()
    "tpu.region"() ({
      %run_scoped3A = tpu.sem_alloc : memref<!tpu.dma_semaphore, #tpu.memory_space<semaphore_mem>>
      %dma_start3A = arith.constant 0 : i32
      %dma_start3A_13 = arith.constant 0 : i32
      %dma_start3A_14 = tpu.memref_slice %arg3[%add3A, %dma_start3A, %dma_start3A_13] : memref<32x125x80xi32, #tpu.memory_space<hbm>> -> memref<1x125x80xi32, #tpu.memory_space<hbm>>
      %dma_start3A_15 = tpu.memref_squeeze %dma_start3A_14 : memref<1x125x80xi32, #tpu.memory_space<hbm>> -> memref<125x80xi32, #tpu.memory_space<hbm>>
      %dma_start3A_16 = arith.constant 0 : i32
      %dma_start3A_17 = arith.constant 0 : i32
      %dma_start3A_18 = tpu.memref_slice %arg3[%add3A, %dma_start3A_16, %dma_start3A_17] : memref<32x125x80xi32, #tpu.memory_space<hbm>> -> memref<1x125x80xi32, #tpu.memory_space<hbm>>
      %dma_start3A_19 = tpu.memref_squeeze %dma_start3A_18 : memref<1x125x80xi32, #tpu.memory_space<hbm>> -> memref<125x80xi32, #tpu.memory_space<hbm>>
      tpu.enqueue_dma source(%dma_start3A_19 : memref<125x80xi32, #tpu.memory_space<hbm>>) target(%arg7 : memref<125x80xi32, #tpu.memory_space<vmem>>) target_semaphore(%run_scoped3A : memref<!tpu.dma_semaphore, #tpu.memory_space<semaphore_mem>>)
      %dma_wait3A = arith.constant 0 : i32
      %dma_wait3A_20 = arith.constant 0 : i32
      %dma_wait3A_21 = tpu.memref_slice %arg3[%add3A, %dma_wait3A, %dma_wait3A_20] : memref<32x125x80xi32, #tpu.memory_space<hbm>> -> memref<1x125x80xi32, #tpu.memory_space<hbm>>
      %dma_wait3A_22 = tpu.memref_squeeze %dma_wait3A_21 : memref<1x125x80xi32, #tpu.memory_space<hbm>> -> memref<125x80xi32, #tpu.memory_space<hbm>>
      %dma_wait3A_23 = arith.constant 0 : i32
      %dma_wait3A_24 = arith.constant 0 : i32
      %dma_wait3A_25 = tpu.memref_slice %arg3[%add3A, %dma_wait3A_23, %dma_wait3A_24] : memref<32x125x80xi32, #tpu.memory_space<hbm>> -> memref<1x125x80xi32, #tpu.memory_space<hbm>>
      %dma_wait3A_26 = tpu.memref_squeeze %dma_wait3A_25 : memref<1x125x80xi32, #tpu.memory_space<hbm>> -> memref<125x80xi32, #tpu.memory_space<hbm>>
      tpu.wait_dma2 semaphore(%run_scoped3A : memref<!tpu.dma_semaphore, #tpu.memory_space<semaphore_mem>>) src(%dma_wait3A_26 : memref<125x80xi32, #tpu.memory_space<hbm>>) dst(%arg7 : memref<125x80xi32, #tpu.memory_space<vmem>>)
      tpu.yield
    }) : () -> ()
    "tpu.region"() ({
      %run_scoped3A = tpu.sem_alloc : memref<!tpu.dma_semaphore, #tpu.memory_space<semaphore_mem>>
      %dma_start3A = arith.constant 0 : i32
      %dma_start3A_13 = arith.constant 0 : i32
      %dma_start3A_14 = tpu.memref_slice %arg4[%add3A, %dma_start3A, %dma_start3A_13] : memref<32x125x80xi32, #tpu.memory_space<hbm>> -> memref<1x125x80xi32, #tpu.memory_space<hbm>>
      %dma_start3A_15 = tpu.memref_squeeze %dma_start3A_14 : memref<1x125x80xi32, #tpu.memory_space<hbm>> -> memref<125x80xi32, #tpu.memory_space<hbm>>
      %dma_start3A_16 = arith.constant 0 : i32
      %dma_start3A_17 = arith.constant 0 : i32
      %dma_start3A_18 = tpu.memref_slice %arg4[%add3A, %dma_start3A_16, %dma_start3A_17] : memref<32x125x80xi32, #tpu.memory_space<hbm>> -> memref<1x125x80xi32, #tpu.memory_space<hbm>>
      %dma_start3A_19 = tpu.memref_squeeze %dma_start3A_18 : memref<1x125x80xi32, #tpu.memory_space<hbm>> -> memref<125x80xi32, #tpu.memory_space<hbm>>
      tpu.enqueue_dma source(%dma_start3A_19 : memref<125x80xi32, #tpu.memory_space<hbm>>) target(%arg8 : memref<125x80xi32, #tpu.memory_space<vmem>>) target_semaphore(%run_scoped3A : memref<!tpu.dma_semaphore, #tpu.memory_space<semaphore_mem>>)
      %dma_wait3A = arith.constant 0 : i32
      %dma_wait3A_20 = arith.constant 0 : i32
      %dma_wait3A_21 = tpu.memref_slice %arg4[%add3A, %dma_wait3A, %dma_wait3A_20] : memref<32x125x80xi32, #tpu.memory_space<hbm>> -> memref<1x125x80xi32, #tpu.memory_space<hbm>>
      %dma_wait3A_22 = tpu.memref_squeeze %dma_wait3A_21 : memref<1x125x80xi32, #tpu.memory_space<hbm>> -> memref<125x80xi32, #tpu.memory_space<hbm>>
      %dma_wait3A_23 = arith.constant 0 : i32
      %dma_wait3A_24 = arith.constant 0 : i32
      %dma_wait3A_25 = tpu.memref_slice %arg4[%add3A, %dma_wait3A_23, %dma_wait3A_24] : memref<32x125x80xi32, #tpu.memory_space<hbm>> -> memref<1x125x80xi32, #tpu.memory_space<hbm>>
      %dma_wait3A_26 = tpu.memref_squeeze %dma_wait3A_25 : memref<1x125x80xi32, #tpu.memory_space<hbm>> -> memref<125x80xi32, #tpu.memory_space<hbm>>
      tpu.wait_dma2 semaphore(%run_scoped3A : memref<!tpu.dma_semaphore, #tpu.memory_space<semaphore_mem>>) src(%dma_wait3A_26 : memref<125x80xi32, #tpu.memory_space<hbm>>) dst(%arg8 : memref<125x80xi32, #tpu.memory_space<vmem>>)
      tpu.yield
    }) : () -> ()
    %barrier3A = arith.constant 0 : index
    tpu.barrier barrier_id(%barrier3A)
    %scan3A = arith.constant 0 : i32
    %scan3A_3 = arith.constant 0 : i32
    %scan3A_4 = arith.constant 125 : i32
    %scan3A_5 = arith.addi %scan3A_3, %scan3A_4 : i32
    %scan3A_6 = arith.constant 1 : i32
    scf.for %scan3A_13 = %scan3A_3 to %scan3A_5 step %scan3A_6  : i32 {
      "tpu.region"() ({
        %run_scoped3A = tpu.sem_alloc : memref<!tpu.dma_semaphore, #tpu.memory_space<semaphore_mem>>
        %dma_start3A = arith.constant 0 : i32
        %dma_start3A_14 = tpu.memref_slice %arg7[%scan3A_13, %dma_start3A] : memref<125x80xi32, #tpu.memory_space<vmem>> -> memref<1x80xi32, #tpu.memory_space<vmem>>
        %dma_start3A_15 = tpu.memref_squeeze %dma_start3A_14 : memref<1x80xi32, #tpu.memory_space<vmem>> -> memref<80xi32, #tpu.memory_space<vmem>>
        %dma_start3A_16 = arith.constant 0 : i32
        %dma_start3A_17 = arith.constant 0 : i32
        %dma_start3A_18 = tpu.memref_slice %arg2[%dma_start3A_16, %dma_start3A_17] : memref<10000x128xf32, #tpu.memory_space<hbm>> -> memref<10000x128xf32, #tpu.memory_space<hbm>>
        tpu.enqueue_indirect_dma source(%dma_start3A_18 : memref<10000x128xf32, #tpu.memory_space<hbm>>) target(%arg9 : memref<80x128xf32, #tpu.memory_space<vmem>>) offsets(%dma_start3A_15 : memref<80xi32, #tpu.memory_space<vmem>>) semaphore(%run_scoped3A : memref<!tpu.dma_semaphore, #tpu.memory_space<semaphore_mem>>)
        %dma_wait3A = arith.constant 0 : i32
        %dma_wait3A_19 = tpu.memref_slice %arg7[%scan3A_13, %dma_wait3A] : memref<125x80xi32, #tpu.memory_space<vmem>> -> memref<1x80xi32, #tpu.memory_space<vmem>>
        %dma_wait3A_20 = tpu.memref_squeeze %dma_wait3A_19 : memref<1x80xi32, #tpu.memory_space<vmem>> -> memref<80xi32, #tpu.memory_space<vmem>>
        %dma_wait3A_21 = arith.constant 0 : i32
        %dma_wait3A_22 = arith.constant 0 : i32
        %dma_wait3A_23 = tpu.memref_slice %arg2[%dma_wait3A_21, %dma_wait3A_22] : memref<10000x128xf32, #tpu.memory_space<hbm>> -> memref<10000x128xf32, #tpu.memory_space<hbm>>
        tpu.wait_indirect_dma semaphore(%run_scoped3A : memref<!tpu.dma_semaphore, #tpu.memory_space<semaphore_mem>>) src(%dma_wait3A_23 : memref<10000x128xf32, #tpu.memory_space<hbm>>) dst(%arg9 : memref<80x128xf32, #tpu.memory_space<vmem>>)
        tpu.yield
      }) : () -> ()
      "tpu.region"() ({
        %run_scoped3A = tpu.sem_alloc : memref<!tpu.dma_semaphore, #tpu.memory_space<semaphore_mem>>
        %dma_start3A = arith.constant 0 : i32
        %dma_start3A_14 = tpu.memref_slice %arg8[%scan3A_13, %dma_start3A] : memref<125x80xi32, #tpu.memory_space<vmem>> -> memref<1x80xi32, #tpu.memory_space<vmem>>
        %dma_start3A_15 = tpu.memref_squeeze %dma_start3A_14 : memref<1x80xi32, #tpu.memory_space<vmem>> -> memref<80xi32, #tpu.memory_space<vmem>>
        %dma_start3A_16 = arith.constant 0 : i32
        %dma_start3A_17 = arith.constant 0 : i32
        %dma_start3A_18 = tpu.memref_slice %arg10[%dma_start3A_16, %dma_start3A_17] : memref<10000x128xf32, #tpu.memory_space<vmem_shared>> -> memref<10000x128xf32, #tpu.memory_space<vmem_shared>>
        tpu.enqueue_indirect_dma source(%arg9 : memref<80x128xf32, #tpu.memory_space<vmem>>) target(%dma_start3A_18 : memref<10000x128xf32, #tpu.memory_space<vmem_shared>>) offsets(%dma_start3A_15 : memref<80xi32, #tpu.memory_space<vmem>>) semaphore(%run_scoped3A : memref<!tpu.dma_semaphore, #tpu.memory_space<semaphore_mem>>) {add = true}
        %dma_wait3A = arith.constant 0 : i32
        %dma_wait3A_19 = tpu.memref_slice %arg8[%scan3A_13, %dma_wait3A] : memref<125x80xi32, #tpu.memory_space<vmem>> -> memref<1x80xi32, #tpu.memory_space<vmem>>
        %dma_wait3A_20 = tpu.memref_squeeze %dma_wait3A_19 : memref<1x80xi32, #tpu.memory_space<vmem>> -> memref<80xi32, #tpu.memory_space<vmem>>
        %dma_wait3A_21 = arith.constant 0 : i32
        %dma_wait3A_22 = arith.constant 0 : i32
        %dma_wait3A_23 = tpu.memref_slice %arg10[%dma_wait3A_21, %dma_wait3A_22] : memref<10000x128xf32, #tpu.memory_space<vmem_shared>> -> memref<10000x128xf32, #tpu.memory_space<vmem_shared>>
        tpu.wait_indirect_dma semaphore(%run_scoped3A : memref<!tpu.dma_semaphore, #tpu.memory_space<semaphore_mem>>) src(%arg9 : memref<80x128xf32, #tpu.memory_space<vmem>>) dst(%dma_wait3A_23 : memref<10000x128xf32, #tpu.memory_space<vmem_shared>>)
        tpu.yield
      }) : () -> ()
    }
    %scan3A_7 = arith.constant 125 : i32
    %barrier3A_8 = arith.constant 0 : index
    tpu.barrier barrier_id(%barrier3A_8)
    %mul3A_9 = arith.constant 625 : i32
    %mul3A_10 = arith.muli %arg1, %mul3A_9 : i32
    %mul3A_11 = arith.constant 625 : i32
    %mul3A_12 = arith.muli %arg1, %mul3A_11 : i32
    "tpu.region"() ({
      %run_scoped3A = tpu.sem_alloc : memref<!tpu.dma_semaphore, #tpu.memory_space<semaphore_mem>>
      %dma_start3A = arith.constant 0 : i32
      %dma_start3A_13 = tpu.memref_slice %arg6[%arg0, %mul3A_12, %dma_start3A] : memref<2x10000x128xf32, #tpu.memory_space<hbm>> -> memref<1x625x128xf32, #tpu.memory_space<hbm>>
      %dma_start3A_14 = tpu.memref_squeeze %dma_start3A_13 : memref<1x625x128xf32, #tpu.memory_space<hbm>> -> memref<625x128xf32, #tpu.memory_space<hbm>>
      %dma_start3A_15 = arith.constant 0 : i32
      %dma_start3A_16 = tpu.memref_slice %arg10[%mul3A_10, %dma_start3A_15] : memref<10000x128xf32, #tpu.memory_space<vmem_shared>> -> memref<625x128xf32, #tpu.memory_space<vmem_shared>>
      tpu.enqueue_dma source(%dma_start3A_16 : memref<625x128xf32, #tpu.memory_space<vmem_shared>>) target(%dma_start3A_14 : memref<625x128xf32, #tpu.memory_space<hbm>>) target_semaphore(%run_scoped3A : memref<!tpu.dma_semaphore, #tpu.memory_space<semaphore_mem>>)
      %dma_wait3A = arith.constant 0 : i32
      %dma_wait3A_17 = tpu.memref_slice %arg6[%arg0, %mul3A_12, %dma_wait3A] : memref<2x10000x128xf32, #tpu.memory_space<hbm>> -> memref<1x625x128xf32, #tpu.memory_space<hbm>>
      %dma_wait3A_18 = tpu.memref_squeeze %dma_wait3A_17 : memref<1x625x128xf32, #tpu.memory_space<hbm>> -> memref<625x128xf32, #tpu.memory_space<hbm>>
      %dma_wait3A_19 = arith.constant 0 : i32
      %dma_wait3A_20 = tpu.memref_slice %arg10[%mul3A_10, %dma_wait3A_19] : memref<10000x128xf32, #tpu.memory_space<vmem_shared>> -> memref<625x128xf32, #tpu.memory_space<vmem_shared>>
      tpu.wait_dma2 semaphore(%run_scoped3A : memref<!tpu.dma_semaphore, #tpu.memory_space<semaphore_mem>>) src(%dma_wait3A_20 : memref<625x128xf32, #tpu.memory_space<vmem_shared>>) dst(%dma_wait3A_18 : memref<625x128xf32, #tpu.memory_space<hbm>>)
      tpu.yield
    }) : () -> ()
    return
  }
}

module attributes {stable_mosaic.version = 14 : i64} {
  func.func @_tc_comb_body(%arg0: i32, %arg1: memref<2x1000x128xf32, #tpu.memory_space<vmem>>, %arg2: memref<1000x128xf32, #tpu.memory_space<vmem>>, %arg3: memref<128x128xbf16, #tpu.memory_space<vmem>>, %arg4: memref<128x128xbf16, #tpu.memory_space<vmem>>, %arg5: memref<1x128xf32, #tpu.memory_space<vmem>>, %arg6: memref<1000x128xbf16, #tpu.memory_space<vmem>>) attributes {dimension_semantics = [#tpu.dimension_semantics<arbitrary>], iteration_bounds = array<i64: 10>, scalar_prefetch = 0 : i64, scratch_operands = 0 : i64, tpu.core_type = #tpu.core_type<tc>, window_params = [{transform_indices = @transform_0, window_bounds = array<i64: 2, 1000, 128>}, {transform_indices = @transform_1, window_bounds = array<i64: 1000, 128>}, {pipeline_mode = #tpu.pipeline_mode<synchronous>, transform_indices = @transform_2, window_bounds = array<i64: 128, 128>}, {pipeline_mode = #tpu.pipeline_mode<synchronous>, transform_indices = @transform_3, window_bounds = array<i64: 128, 128>}, {pipeline_mode = #tpu.pipeline_mode<synchronous>, transform_indices = @transform_4, window_bounds = array<i64: 1, 128>}, {transform_indices = @transform_5, window_bounds = array<i64: 1000, 128>}]} {
    %get3A = arith.constant 0 : index
    %get3A_0 = arith.constant 0 : index
    %get3A_1 = arith.constant 0 : index
    %get3A_2 = vector.load %arg1[%get3A, %get3A_0, %get3A_1] : memref<2x1000x128xf32, #tpu.memory_space<vmem>>, vector<1x1000x128xf32>
    %get3A_3 = vector.shape_cast %get3A_2 : vector<1x1000x128xf32> to vector<1000x128xf32>
    %get3A_4 = arith.constant 1 : index
    %get3A_5 = arith.constant 0 : index
    %get3A_6 = arith.constant 0 : index
    %get3A_7 = vector.load %arg1[%get3A_4, %get3A_5, %get3A_6] : memref<2x1000x128xf32, #tpu.memory_space<vmem>>, vector<1x1000x128xf32>
    %get3A_8 = vector.shape_cast %get3A_7 : vector<1x1000x128xf32> to vector<1000x128xf32>
    %add3A = arith.addf %get3A_3, %get3A_8 : vector<1000x128xf32>
    %convert_element_type3A = arith.truncf %add3A : vector<1000x128xf32> to vector<1000x128xbf16>
    %get3A_9 = arith.constant 0 : index
    %get3A_10 = arith.constant 0 : index
    %get3A_11 = vector.load %arg2[%get3A_9, %get3A_10] : memref<1000x128xf32, #tpu.memory_space<vmem>>, vector<1000x128xf32>
    %convert_element_type3A_12 = arith.truncf %get3A_11 : vector<1000x128xf32> to vector<1000x128xbf16>
    %get3A_13 = arith.constant 0 : index
    %get3A_14 = arith.constant 0 : index
    %get3A_15 = vector.load %arg3[%get3A_13, %get3A_14] : memref<128x128xbf16, #tpu.memory_space<vmem>>, vector<128x128xbf16>
    %dot_general3A = arith.constant dense<0.000000e+00> : vector<1000x128xf32>
    %dot_general3A_16 = tpu.matmul %convert_element_type3A, %get3A_15, %dot_general3A {dimension_numbers = #tpu.dot_dimension_numbers<[1], [0], [0], [1], [0, 0, 1, 1], [], []>, transpose_lhs_hint = false} : vector<1000x128xbf16>, vector<128x128xbf16>, vector<1000x128xf32> -> vector<1000x128xf32>
    %get3A_17 = arith.constant 0 : index
    %get3A_18 = arith.constant 0 : index
    %get3A_19 = vector.load %arg5[%get3A_17, %get3A_18] : memref<1x128xf32, #tpu.memory_space<vmem>>, vector<1x128xf32>
    %add3A_20 = vector.broadcast %get3A_19 : vector<1x128xf32> to vector<1000x128xf32>
    %add3A_21 = arith.addf %dot_general3A_16, %add3A_20 : vector<1000x128xf32>
    %get3A_22 = arith.constant 0 : index
    %get3A_23 = arith.constant 0 : index
    %get3A_24 = vector.load %arg4[%get3A_22, %get3A_23] : memref<128x128xbf16, #tpu.memory_space<vmem>>, vector<128x128xbf16>
    %dot_general3A_25 = arith.constant dense<0.000000e+00> : vector<1000x128xf32>
    %dot_general3A_26 = tpu.matmul %convert_element_type3A_12, %get3A_24, %dot_general3A_25 {dimension_numbers = #tpu.dot_dimension_numbers<[1], [0], [0], [1], [0, 0, 1, 1], [], []>, transpose_lhs_hint = false} : vector<1000x128xbf16>, vector<128x128xbf16>, vector<1000x128xf32> -> vector<1000x128xf32>
    %add3A_27 = arith.addf %add3A_21, %dot_general3A_26 : vector<1000x128xf32>
    %max3A = arith.constant 0.000000e+00 : f32
    %max3A_28 = vector.broadcast %max3A : f32 to vector<1000x128xf32>
    %max3A_29 = arith.maximumf %add3A_27, %max3A_28 : vector<1000x128xf32>
    %convert_element_type3A_30 = arith.truncf %max3A_29 : vector<1000x128xf32> to vector<1000x128xbf16>
    %swap3A = arith.constant 0 : index
    %swap3A_31 = arith.constant 0 : index
    %swap3A_32 = vector.load %arg6[%swap3A, %swap3A_31] : memref<1000x128xbf16, #tpu.memory_space<vmem>>, vector<1000x128xbf16>
    tpu.vector_store %arg6[%swap3A, %swap3A_31], %convert_element_type3A_30 {strides = array<i32>} : memref<1000x128xbf16, #tpu.memory_space<vmem>>, vector<1000x128xbf16>,
    return
  }
  func.func @transform_0(%arg0: i32) -> (i32, i32, i32) {
    %c0_i32 = arith.constant 0 : i32
    %c0_i32_0 = arith.constant 0 : i32
    %c0_i32_1 = arith.constant 0 : i32
    return %c0_i32, %arg0, %c0_i32_0 : i32, i32, i32
  }
  func.func @transform_1(%arg0: i32) -> (i32, i32) {
    %c0_i32 = arith.constant 0 : i32
    %c0_i32_0 = arith.constant 0 : i32
    return %arg0, %c0_i32 : i32, i32
  }
  func.func @transform_2(%arg0: i32) -> (i32, i32) {
    %c0_i32 = arith.constant 0 : i32
    %c0_i32_0 = arith.constant 0 : i32
    %c0_i32_1 = arith.constant 0 : i32
    return %c0_i32, %c0_i32_0 : i32, i32
  }
  func.func @transform_3(%arg0: i32) -> (i32, i32) {
    %c0_i32 = arith.constant 0 : i32
    %c0_i32_0 = arith.constant 0 : i32
    %c0_i32_1 = arith.constant 0 : i32
    return %c0_i32, %c0_i32_0 : i32, i32
  }
  func.func @transform_4(%arg0: i32) -> (i32, i32) {
    %c0_i32 = arith.constant 0 : i32
    %c0_i32_0 = arith.constant 0 : i32
    %c0_i32_1 = arith.constant 0 : i32
    return %c0_i32, %c0_i32_0 : i32, i32
  }
  func.func @transform_5(%arg0: i32) -> (i32, i32) {
    %c0_i32 = arith.constant 0 : i32
    %c0_i32_0 = arith.constant 0 : i32
    return %arg0, %c0_i32 : i32, i32
  }
}

module attributes {stable_mosaic.version = 14 : i64} {
  func.func @_tc_comb_body(%arg0: i32, %arg1: memref<2x1000x128xf32, #tpu.memory_space<vmem>>, %arg2: memref<1000x128xf32, #tpu.memory_space<vmem>>, %arg3: memref<128x128xbf16, #tpu.memory_space<vmem>>, %arg4: memref<128x128xbf16, #tpu.memory_space<vmem>>, %arg5: memref<1x128xf32, #tpu.memory_space<vmem>>, %arg6: memref<1000x128xf32, #tpu.memory_space<vmem>>) attributes {dimension_semantics = [#tpu.dimension_semantics<arbitrary>], iteration_bounds = array<i64: 10>, scalar_prefetch = 0 : i64, scratch_operands = 0 : i64, tpu.core_type = #tpu.core_type<tc>, window_params = [{transform_indices = @transform_0, window_bounds = array<i64: 2, 1000, 128>}, {transform_indices = @transform_1, window_bounds = array<i64: 1000, 128>}, {pipeline_mode = #tpu.pipeline_mode<synchronous>, transform_indices = @transform_2, window_bounds = array<i64: 128, 128>}, {pipeline_mode = #tpu.pipeline_mode<synchronous>, transform_indices = @transform_3, window_bounds = array<i64: 128, 128>}, {pipeline_mode = #tpu.pipeline_mode<synchronous>, transform_indices = @transform_4, window_bounds = array<i64: 1, 128>}, {transform_indices = @transform_5, window_bounds = array<i64: 1000, 128>}]} {
    %get3A = arith.constant 0 : index
    %get3A_0 = arith.constant 0 : index
    %get3A_1 = arith.constant 0 : index
    %get3A_2 = vector.load %arg1[%get3A, %get3A_0, %get3A_1] : memref<2x1000x128xf32, #tpu.memory_space<vmem>>, vector<1x1000x128xf32>
    %get3A_3 = vector.shape_cast %get3A_2 : vector<1x1000x128xf32> to vector<1000x128xf32>
    %get3A_4 = arith.constant 1 : index
    %get3A_5 = arith.constant 0 : index
    %get3A_6 = arith.constant 0 : index
    %get3A_7 = vector.load %arg1[%get3A_4, %get3A_5, %get3A_6] : memref<2x1000x128xf32, #tpu.memory_space<vmem>>, vector<1x1000x128xf32>
    %get3A_8 = vector.shape_cast %get3A_7 : vector<1x1000x128xf32> to vector<1000x128xf32>
    %add3A = arith.addf %get3A_3, %get3A_8 : vector<1000x128xf32>
    %convert_element_type3A = arith.truncf %add3A : vector<1000x128xf32> to vector<1000x128xbf16>
    %get3A_9 = arith.constant 0 : index
    %get3A_10 = arith.constant 0 : index
    %get3A_11 = vector.load %arg2[%get3A_9, %get3A_10] : memref<1000x128xf32, #tpu.memory_space<vmem>>, vector<1000x128xf32>
    %convert_element_type3A_12 = arith.truncf %get3A_11 : vector<1000x128xf32> to vector<1000x128xbf16>
    %get3A_13 = arith.constant 0 : index
    %get3A_14 = arith.constant 0 : index
    %get3A_15 = vector.load %arg3[%get3A_13, %get3A_14] : memref<128x128xbf16, #tpu.memory_space<vmem>>, vector<128x128xbf16>
    %dot_general3A = arith.constant dense<0.000000e+00> : vector<1000x128xf32>
    %dot_general3A_16 = tpu.matmul %convert_element_type3A, %get3A_15, %dot_general3A {dimension_numbers = #tpu.dot_dimension_numbers<[1], [0], [0], [1], [0, 0, 1, 1], [], []>, transpose_lhs_hint = false} : vector<1000x128xbf16>, vector<128x128xbf16>, vector<1000x128xf32> -> vector<1000x128xf32>
    %get3A_17 = arith.constant 0 : index
    %get3A_18 = arith.constant 0 : index
    %get3A_19 = vector.load %arg5[%get3A_17, %get3A_18] : memref<1x128xf32, #tpu.memory_space<vmem>>, vector<1x128xf32>
    %add3A_20 = vector.broadcast %get3A_19 : vector<1x128xf32> to vector<1000x128xf32>
    %add3A_21 = arith.addf %dot_general3A_16, %add3A_20 : vector<1000x128xf32>
    %get3A_22 = arith.constant 0 : index
    %get3A_23 = arith.constant 0 : index
    %get3A_24 = vector.load %arg4[%get3A_22, %get3A_23] : memref<128x128xbf16, #tpu.memory_space<vmem>>, vector<128x128xbf16>
    %dot_general3A_25 = arith.constant dense<0.000000e+00> : vector<1000x128xf32>
    %dot_general3A_26 = tpu.matmul %convert_element_type3A_12, %get3A_24, %dot_general3A_25 {dimension_numbers = #tpu.dot_dimension_numbers<[1], [0], [0], [1], [0, 0, 1, 1], [], []>, transpose_lhs_hint = false} : vector<1000x128xbf16>, vector<128x128xbf16>, vector<1000x128xf32> -> vector<1000x128xf32>
    %add3A_27 = arith.addf %add3A_21, %dot_general3A_26 : vector<1000x128xf32>
    %max3A = arith.constant 0.000000e+00 : f32
    %max3A_28 = vector.broadcast %max3A : f32 to vector<1000x128xf32>
    %max3A_29 = arith.maximumf %add3A_27, %max3A_28 : vector<1000x128xf32>
    %swap3A = arith.constant 0 : index
    %swap3A_30 = arith.constant 0 : index
    %swap3A_31 = vector.load %arg6[%swap3A, %swap3A_30] : memref<1000x128xf32, #tpu.memory_space<vmem>>, vector<1000x128xf32>
    tpu.vector_store %arg6[%swap3A, %swap3A_30], %max3A_29 {strides = array<i32>} : memref<1000x128xf32, #tpu.memory_space<vmem>>, vector<1000x128xf32>,
    return
  }
  func.func @transform_0(%arg0: i32) -> (i32, i32, i32) {
    %c0_i32 = arith.constant 0 : i32
    %c0_i32_0 = arith.constant 0 : i32
    %c0_i32_1 = arith.constant 0 : i32
    return %c0_i32, %arg0, %c0_i32_0 : i32, i32, i32
  }
  func.func @transform_1(%arg0: i32) -> (i32, i32) {
    %c0_i32 = arith.constant 0 : i32
    %c0_i32_0 = arith.constant 0 : i32
    return %arg0, %c0_i32 : i32, i32
  }
  func.func @transform_2(%arg0: i32) -> (i32, i32) {
    %c0_i32 = arith.constant 0 : i32
    %c0_i32_0 = arith.constant 0 : i32
    %c0_i32_1 = arith.constant 0 : i32
    return %c0_i32, %c0_i32_0 : i32, i32
  }
  func.func @transform_3(%arg0: i32) -> (i32, i32) {
    %c0_i32 = arith.constant 0 : i32
    %c0_i32_0 = arith.constant 0 : i32
    %c0_i32_1 = arith.constant 0 : i32
    return %c0_i32, %c0_i32_0 : i32, i32
  }
  func.func @transform_4(%arg0: i32) -> (i32, i32) {
    %c0_i32 = arith.constant 0 : i32
    %c0_i32_0 = arith.constant 0 : i32
    %c0_i32_1 = arith.constant 0 : i32
    return %c0_i32, %c0_i32_0 : i32, i32
  }
  func.func @transform_5(%arg0: i32) -> (i32, i32) {
    %c0_i32 = arith.constant 0 : i32
    %c0_i32_0 = arith.constant 0 : i32
    return %arg0, %c0_i32 : i32, i32
  }
}

</mosaic_0001>

<sc_bundles>
// kernel: kernel.6.cloned.1.call-start
scs
__scs_entry_jumppad:
0x0: {  	(pc) =	sbr.rel $0x88, $3  }
0x1: {  	(tag) =	ssettag $0x0;
	lr =	simm.s32 $0x1  }
0x2: {  	[smem:$0x3F99] =	sst lr;
	_ =	strace $0xD0000000  }
0x3: {  	_ = 	snop  }
0x4: {  	_ = 	snop  }
0x5: {  	_ = 	snop  }
0x6: {  	_ = 	snop  }
0x7: {  	_ = 	snop  }
__scs_overlays_trampoline_lowered:
0x8: {  	[smem:$0x3FA8] =	sst s0  }
0x9: {  	[smem:$0x3FA9] =	sst s1  }
0xa: {  	[smem:$0x3FAA] =	sst s2  }
0xb: {  	[smem:$0x3FAB] =	sst s3  }
0xc: {  	[smem:$0x3FAC] =	sst s4  }
0xd: {  	[smem:$0x3FAD] =	sst s5  }
0xe: {  	[smem:$0x3FAE] =	sst s6  }
0xf: {  	[smem:$0x3FAF] =	sst s7  }
0x10: {  	[smem:$0x3FB0] =	sst s8  }
0x11: {  	[smem:$0x3FB1] =	sst s9;
	s0 =	simm.s32 @!p0 $0x0  }
0x12: {  	s1 =	sld [smem:$0x3F97];
	s0 =	simm.s32 @p0 $0x1  }
0x13: {  	[smem:$0x3FB2] =	sst s0;
	s0 =	simm.s32 @!p1 $0x0  }
0x14: {  	s2 =	sld [smem:$0x3F96];
	s0 =	simm.s32 @p1 $0x1  }
0x15: {  	[smem:$0x3FB3] =	sst s0;
	s0 =	simm.s32 @!p2 $0x0  }
0x16: {  	s3 =	sld [smem:$0x3FDB];
	s0 =	simm.s32 @p2 $0x1  }
0x17: {  	s4 =	simm.s32 $0x1BF5;
	[smem:$0x3FB5] =	sst s0  }
0x18: {  	s0 =	sld [smem:$0x3F98];
	_ =	swait.ge [sflag:s4], $0x0  }
0x19: {  	s7 =	sld [smem:$0x3F99]  }
0x1a: {  	s8 =	sadd.s32 $0xFFFFE003, lr  }
0x1b: {  	s9 =	sadd.s32 $0xFFFFFEF7, lr;
	s5 =	simm.s32 $0xFFFFFFFF;
	p2 =	slt.u32 s8, $0xFFFFF086  }
0x1c: {  	p1 =	slt.u32 s9, $0xF7A;
	s5 =	simm.s32 @!p2 $0x0  }
0x1d: {  	s5 =	simm.s32 @p1 $0x1;
	p0 =	seq.s32 s7, s2  }
0x1e: {  	s7 =	smul.u32 @!p0 $0xF7A, s2;
	p2 =	seq.s32 @!p0 s5, $0x0  }
0x1f: {  	s9 =	smul.u32 $0xF7A, s1;
	s8 =	simm.s32 @!p0 $0x1BF5;
	p2 =	por !p2, p0  }
0x20: {  	[sflag:s8] =	ssyncset.s32 @!p0 $0xFFFFF086;
	s6 =	sadd.s32 @!p0 s3, s7;
	s7 =	simm.s32 @!p0 $0x108  }
0x21: {  	s3 =	sadd.s32 s3, s9;
	s6 =	sadd.s32 @!p0 $0x88, s6;
	s7 =	simm.s32 @p2 $0x1082  }
0x22: {  	[simem:s7], [sflag:s8] =	dma.local @!p0 [hbm:s6], $0xF7A  }
0x23: {  	s9 =	sor.u32 $0xD0000000, s2;
	s6 =	simm.s32 $0x108;
	_ =	swait.ge @!p0 [sflag:s8], $0x0  }
0x24: {  	s3 =	sadd.s32 $0x88, s3;
	s6 =	simm.s32 @!p1 $0x1082;
	[sflag:s4] =	ssyncset.s32 $0xFFFFF086  }
0x25: {  	[simem:s6], [sflag:s4] =	dma.local [hbm:s3], $0xF7A  }
0x26: {  	[smem:$0x3F99] =	sst s1;
	(tag) =	ssettag s2;
	_ =	strace s9  }
0x27: {  	s1 =	sld [smem:$0x3FA9]  }
0x28: {  	s2 =	sld [smem:$0x3FAA]  }
0x29: {  	s4 =	sld [smem:$0x3FAC]  }
0x2a: {  	p0 =	seq.s32 s5, $0x0;
	s5 =	sld [smem:$0x3FAD]  }
0x2b: {  	s6 =	sld [smem:$0x3FAE]  }
0x2c: {  	s7 =	sld [smem:$0x3FAF]  }
0x2d: {  	s3 =	simm.s32 $0x108;
	s8 =	sld [smem:$0x3FB0]  }
0x2e: {  	s3 =	simm.s32 @!p0 $0x1082;
	s9 =	sld [smem:$0x3FB1]  }
0x2f: {  	lr =	sadd.s32 s0, s3;
	s0 =	sld [smem:$0x3FA8]  }
0x30: {  	s3 =	sld [smem:$0x3FAB]  }
0x31: {  	[smem:$0x3FB4] =	sst s10  }
0x32: {  	s10 =	sld [smem:$0x3FB2];
	_ =	sdelay $0x3  }
0x33: {  	p0 =	seq.s32 s10, $0x1;
	s10 =	sld [smem:$0x3FB4];
	_ =	sdelay $0x3  }
0x34: {  	[smem:$0x3FB4] =	sst s10  }
0x35: {  	s10 =	sld [smem:$0x3FB3];
	_ =	sdelay $0x3  }
0x36: {  	p1 =	seq.s32 s10, $0x1;
	s10 =	sld [smem:$0x3FB4];
	_ =	sdelay $0x3  }
0x37: {  	[smem:$0x3FB4] =	sst s10  }
0x38: {  	s10 =	sld [smem:$0x3FB5]  }
0x39: {  	_ = 	snop;
	(pc) =	sbr.ind lr, $3  }
0x3a: {  	_ = 	snop  }
0x3b: {  	_ = 	snop  }
0x3c: {  	p2 =	seq.s32 s10, $0x1;
	s10 =	sld [smem:$0x3FB4]  }
0x3d: {  	_ =	shalt  }
0x3e: {  	_ =	shalt  }
0x3f: {  	_ =	shalt  }
0x40: {  	_ =	shalt  }
0x41: {  	_ =	shalt  }
0x42: {  	_ =	shalt  }
0x43: {  	_ =	shalt  }
0x44: {  	_ =	shalt  }
0x45: {  	_ =	shalt  }
0x46: {  	_ =	shalt  }
0x47: {  	_ =	shalt  }
0x48: {  	_ =	shalt  }
0x49: {  	_ =	shalt  }
0x4a: {  	_ =	shalt  }
0x4b: {  	_ =	shalt  }
0x4c: {  	_ =	shalt  }
0x4d: {  	_ =	shalt  }
0x4e: {  	_ =	shalt  }
0x4f: {  	_ =	shalt  }
0x50: {  	_ =	shalt  }
0x51: {  	_ =	shalt  }
0x52: {  	_ =	shalt  }
0x53: {  	_ =	shalt  }
0x54: {  	_ =	shalt  }
0x55: {  	_ =	shalt  }
0x56: {  	_ =	shalt  }
0x57: {  	_ =	shalt  }
0x58: {  	_ =	shalt  }
0x59: {  	_ =	shalt  }
0x5a: {  	_ =	shalt  }
0x5b: {  	_ =	shalt  }
0x5c: {  	_ =	shalt  }
0x5d: {  	_ =	shalt  }
0x5e: {  	_ =	shalt  }
0x5f: {  	_ =	shalt  }
0x60: {  	_ =	shalt  }
0x61: {  	_ =	shalt  }
0x62: {  	_ =	shalt  }
0x63: {  	_ =	shalt  }
0x64: {  	_ =	shalt  }
0x65: {  	_ =	shalt  }
0x66: {  	_ =	shalt  }
0x67: {  	_ =	shalt  }
0x68: {  	_ =	shalt  }
0x69: {  	_ =	shalt  }
0x6a: {  	_ =	shalt  }
0x6b: {  	_ =	shalt  }
0x6c: {  	_ =	shalt  }
0x6d: {  	_ =	shalt  }
0x6e: {  	_ =	shalt  }
0x6f: {  	_ =	shalt  }
0x70: {  	_ =	shalt  }
0x71: {  	_ =	shalt  }
0x72: {  	_ =	shalt  }
0x73: {  	_ =	shalt  }
0x74: {  	_ =	shalt  }
0x75: {  	_ =	shalt  }
0x76: {  	_ =	shalt  }
0x77: {  	_ =	shalt  }
0x78: {  	_ =	shalt  }
0x79: {  	_ =	shalt  }
0x7a: {  	_ =	shalt  }
0x7b: {  	_ =	shalt  }
0x7c: {  	_ =	shalt  }
0x7d: {  	_ =	shalt  }
0x7e: {  	_ =	shalt  }
0x7f: {  	_ =	shalt  }
0x80: {  	_ =	shalt  }
0x81: {  	_ =	shalt  }
0x82: {  	_ =	shalt  }
0x83: {  	_ =	shalt  }
0x84: {  	_ =	shalt  }
0x85: {  	_ =	shalt  }
0x86: {  	_ =	shalt  }
0x87: {  	_ =	shalt  }
.Lfunc_end0:
.L_simem_size_0:
called_computation_lowered:
.L_overlay_start_0:
0x88: {  	s2 =	sld [smem:$0x3FD9]  }
0x89: {  	s3 =	sld [smem:$0x3FFE];
	_ =	sdelay $0x1  }
0x8a: {  	s1 =	srdreg.scid  }
0x8b: {  	s0 =	sand.u32 $0x1, s1  }
0x8c: {  	s17 =	sshll.u32 s0, $0xA;
	s2 =	sadd.s32 s3, s2  }
0x8d: {  	s2 =	sadd.s32 s2, s17  }
0x8e: {  	[smem:$0x3FC0] =	sst s2  }
0x8f: {  	_ = 	snop  }
0x90: {  	s2 =	sld [smem:$0x3FC9];
	(tm) =	ssettm $0x1  }
0x91: {  	s18 =	sld [smem:$0x3FFB];
	_ =	sdelay $0x3  }
0x92: {  	_ =	strace s18  }
0x93: {  	s3 =	sld [smem:$0x3FFC];
	_ =	sdelay $0x3  }
0x94: {  	_ =	strace s3  }
0x95: {  	s3 =	sld [smem:$0x3FFD];
	_ =	sdelay $0x3  }
0x96: {  	_ =	strace s3  }
0x97: {  	_ =	strace $0x8FFFFFFF  }
0x98: {  	s19 =	sld [smem:$0x3FDB];
	_ =	sdelay $0x1  }
0x99: {  	s4 =	simm.s32 $_scs_section_size  }
0x9a: {  	s5 =	simm.s32 $_size__tile_overlayer_lowered;
	s6 =	simm.s32 $_tile_overlayer_lowered  }
0x9b: {  	s22 =	simm.s32 $0x1BFF;
	s21 =	sshll.u32 s6, $0x1;
	s3 =	sadd.s32 s4, s19  }
0x9c: {  	s7 =	simm.s32 $0x0;
	s20 =	sshll.u32 s5, $0x1;
	s5 =	sadd.s32 s21, s3  }
0x9d: {  	[timem:s7], [sflag:s22] =	dma.local [hbm:s5], s20  }
0x9e: {  	_ =	swait.ge [sflag:s22], s20  }
0x9f: {  	s4 =	ssub.s32 $0x0, s20;
	[sflag:s22] =	ssyncset.done $0x0  }
0xa0: {  	[sflag:s22] =	ssyncadd.s32 s4;
	_ =	sdelay $0x1  }
0xa1: {  	s23 =	simm.s32 $0x1B8B  }
0xa2: {  	_ =	swait.ge [sflag:s23], $0x1  }
0xa3: {  	[sflag:s23] =	ssyncset.done $0x0  }
0xa4: {  	s25 =	simm.s32 $0x1B8E;
	s24 =	sld [smem:$0x3FFE];
	[sflag:s23] =	ssyncadd.s32 $0xFFFFFFFF  }
0xa5: {  	s26 =	simm.s32 $execute0_lowered;
	[smem:$0x3FD2] =	sst s25  }
0xa6: {  	s5 =	sshll.u32 s26, $0x1;
	_ =	strace $0x80000046;
	[dreg:$0x1] =	wrdreg $0xFFFFFFFF  }
0xa7: {  	s28 =	simm.s32 $_size_execute0_lowered;
	s3 =	sadd.s32 s3, s5;
	[dreg:$0x0] =	wrdreg $0x0  }
0xa8: {  	s5 =	sshll.u32 s28, $0x1;
	[dreg:$0x2] =	wrdreg s3  }
0xa9: {  	[dreg:$0x3] =	wrdreg s5  }
0xaa: {  	[dreg:$0x4] =	wrdreg $0xC0  }
0xab: {  	_ =	task [dreg:s7], $0x5FFFF  }
0xac: {  	[dreg:$0x1] =	wrdreg $0xFFFFFFFF  }
0xad: {  	[dreg:$0x0] =	wrdreg $0x60  }
0xae: {  	[dreg:$0x2] =	wrdreg s2  }
0xaf: {  	[dreg:$0x3] =	wrdreg s24  }
0xb0: {  	[dreg:$0x4] =	wrdreg $0x76200  }
0xb1: {  	[dreg:$0x5] =	wrdreg $0x9  }
0xb2: {  	_ =	task.clear_ibuf [dreg:s7], $0x6FFFF;
	_ =	strace $0x90000046  }
0xb3: {  	s29 =	simm.s32 $0x9;
	_ =	strace $0x80000048  }
0xb4: {  	_ =	swait.ge [sflag:s29], $0x1  }
0xb5: {  	[sflag:s29] =	ssyncadd.s32 $0xFFFFFFFF  }
0xb6: {  	_ =	strace $0x90000048  }
0xb7: {  	_ =	sfence  }
0xb8: {  	s30 =	sld [smem:$0x0];
	_ =	sdelay $0x2  }
0xb9: {  	s31 =	sshll.u32 s1, $0xD;
	s1 =	sshrl.u32 s1, $0x2  }
0xba: {  	s3 =	sand.u32 $0x4000, s31;
	s1 =	sadd.s32 s1, s30  }
0xbb: {  	s0 =	sor.u32 s3, s0;
	s1 =	sshll.u32 s1, $0x11  }
0xbc: {  	s0 =	sor.u32 s1, s0  }
0xbd: {  	s0 =	sadd.s32 $0x8F2B, s0  }
0xbe: {  	[sflag:s0] =	ssyncadd.remote.s32 $0x1  }
0xbf: {  	_ =	sfence.sel $0xFFFF  }
0xc0: {  	[dreg:$0x0] =	wrdreg $0xFFFFFFFF;
	(pc) =	sbr.abs _section_cstart, $3  }
0xc1: {  	[dreg:$0x1] =	wrdreg $0xFFFFFFFF  }
0xc2: {  	_ =	task.clear_ibuf [dreg:s7], $0x2FFFF;
	_ =	strace $0x9FFFFFFF  }
0xc3: {  	(tm) =	ssettm $0x7FFFFFFF  }
tec
execute0_lowered:
.L_overlay_start_1:
0x0: {  	(tag) =	ssettag $0x1  }
0x1: {  	s1 =	rddreg [dreg:$0x0]  }
0x2: {  	s0 =	srdreg.scid;
	s6 =	rddreg [dreg:$0x1]  }
0x3: {  	s3 =	rddreg [dreg:$0x2];
	s4 =	simm.s32 $0x0;
	s14 =	simm.s32 $0x50  }
0x4: {  	s15 =	simm.s32 $0x4E20;
	s5 =	sand.u32 $0x1, s0;
	s0 =	stileid.u32  }
0x5: {  	s16 =	simm.s32 $0x0;
	[smem:$0x7FF] =	sst s4;
	s8 =	smul.u32 $0x13880, s0  }
0x6: {  	s2 =	sshll.u32 s5, $0x4;
	s9 =	smul.u32 $0x138800, s5;
	s30 =	ssub.s32 $0x2, s5  }
0x7: {  	s5 =	sadd.s32 $0x15E00, s6;
	s31 =	sshll.u32 s0, $0x6;
	s2 =	sor.u32 s0, s2  }
0x8: {  	s11 =	sshrl.u32 s30, $0x1;
	s7 =	smul.u32 $0x4E2, s2;
	s2 =	rddreg [dreg:$0x3]  }
0x9: {  	_ =	strace $0x80000047;
	s29 =	sadd.s32 s8, s9;
	s11 =	ssub.s32 s30, s11  }
0xa: {  	s13 =	sadd.s32 s8, s3;
	s10 =	sadd.s32 s7, s6;
	s7 =	sshrl.u32 s29, $0x3  }
0xb: {  	s12 =	sadd.s32 s7, s6;
	s6 =	sor.u32 $0x1C01, s31;
	s7 =	sadd.s32 $0xC000, s10  }
0xc: {  	s8 =	sadd.s32 $0x2200, s10;
	s10 =	smax.u32 s11, $0x1;
	s11 =	sshrl.u32 s13, $0x3  }
0xd: {  	s13 =	simm.s32 $0x2710;
	s9 =	sadd.s32 $0x18600, s12;
	s12 =	simm.s32 $0x1  }
.LBB2_1:
0xe: {  	[spmem:s11], [sflag:s6] =	dma.local [hbm:s5], $0x2710  }
0xf: {  	_ =	swait.ge [sflag:s12], $0x2710  }
0x10: {  	[sflag:s12] =	ssyncset.done $0x0  }
0x11: {  	[sflag:s12] =	ssyncadd.s32 $0xFFFFD8F0  }
0x12: {  	[tilespmem:s4], [sflag:$0x1] =	stream.linear.gather [hbm4b:s7+s4], $0x2710, $0x38;
	[tilespmem:$0x1AEA0] =	vst v63  }
0x13: {  	_ =	swait.ge [sflag:s12], $0x2710  }
0x14: {  	[sflag:s12] =	ssyncset.done $0x0  }
0x15: {  	[sflag:s12] =	ssyncadd.s32 $0xFFFFD8F0  }
0x16: {  	[tilespmem:s13], [sflag:$0x1] =	stream.linear.gather [hbm4b:s8+s4], $0x2710, $0x38;
	[tilespmem:$0x1AEA0] =	vst v63  }
0x17: {  	_ =	swait.ge [sflag:s12], $0x2710  }
0x18: {  	[sflag:s12] =	ssyncset.done $0x0  }
0x19: {  	[sflag:s12] =	ssyncadd.s32 $0xFFFFD8F0  }
0x1a: {  	s17 =	simm.s32 $0x0;
	[bflag:$0x0] =	sbarrier.arrive $0xFFFF  }
0x1b: {  	[tilespmem:s15], [sflag:$0x1] =	stream.indirect.gather [hbm4b:s1+s14], $0x80, s17, s14, $0xb8;
	[tilespmem:$0x1AEA0] =	vst v63  }
0x1c: {  	_ =	swait.ge [sflag:s12], $0x2800  }
0x1d: {  	[sflag:s12] =	ssyncset.done $0x0  }
0x1e: {  	s31 =	simm.s32 $0x2710;
	[sflag:s12] =	ssyncadd.s32 $0xFFFFD800  }
0x1f: {  	[spmem:s3] =	stream.indirect.scatter.add.f32 [tilespmem:s15], [sflag:$0x1], $0x80, s31, s14, $0xb8;
	[tilespmem:$0x1AEA0] =	vst v63  }
0x20: {  	_ =	swait.ge [sflag:s12], $0x2800  }
0x21: {  	s18 =	simm.s32 $0x280;
	s17 =	simm.s32 $0x140;
	[sflag:s12] =	ssyncset.done $0x0  }
.LBB2_2:
0x22: {  	s19 =	sshra.s32 s17, $0x2  }
0x23: {  	[sflag:s12] =	ssyncadd.s32 $0xFFFFD800;
	s17 =	smov.u32 s18;
	s20 =	sadd.s32 $0x140, s18  }
0x24: {  	[tilespmem:s15], [sflag:$0x1] =	stream.indirect.gather [hbm4b:s1+s14], $0x80, s19, s14, $0xb8;
	[tilespmem:$0x1AEA0] =	vst v63  }
0x25: {  	p0 =	sne.s32 s18, $0x9B00;
	_ =	swait.ge [sflag:s12], $0x2800  }
.Ltmp0:
0x26: {  	[sflag:s12] =	ssyncset.done $0x0;
	(pc) =	sbr.rel @p0 .LBB2_2-.Ltmp0, $4  }
0x27: {  	s18 =	sadd.s32 $0x2710, s19;
	[sflag:s12] =	ssyncadd.s32 $0xFFFFD800  }
0x28: {  	[spmem:s3] =	stream.indirect.scatter.add.f32 [tilespmem:s15], [sflag:$0x1], $0x80, s18, s14, $0xb8;
	[tilespmem:$0x1AEA0] =	vst v63  }
0x29: {  	_ =	swait.ge [sflag:s12], $0x2800  }
0x2a: {  	s18 =	smov.u32 s20;
	[sflag:s12] =	ssyncset.done $0x0  }
0x2b: {  	s17 =	sshra.s32 s17, $0x2;
	[sflag:s12] =	ssyncadd.s32 $0xFFFFD800  }
0x2c: {  	[tilespmem:s15], [sflag:$0x1] =	stream.indirect.gather [hbm4b:s1+s14], $0x80, s17, s14, $0xb8;
	[tilespmem:$0x1AEA0] =	vst v63  }
0x2d: {  	_ =	swait.ge [sflag:s12], $0x2800  }
0x2e: {  	[sflag:s12] =	ssyncset.done $0x0  }
0x2f: {  	s17 =	sadd.s32 $0x2710, s17;
	[sflag:s12] =	ssyncadd.s32 $0xFFFFD800  }
0x30: {  	[spmem:s3] =	stream.indirect.scatter.add.f32 [tilespmem:s15], [sflag:$0x1], $0x80, s17, s14, $0xb8;
	[tilespmem:$0x1AEA0] =	vst v63  }
0x31: {  	_ =	swait.ge [sflag:s12], $0x2800  }
0x32: {  	s16 =	sadd.s32 $0x1, s16;
	[sflag:s12] =	ssyncset.done $0x0  }
0x33: {  	p0 =	sne.s32 s16, s10;
	[sflag:s12] =	ssyncadd.s32 $0xFFFFD800  }
.Ltmp1:
0x34: {  	[bflag:$0x0] =	sbarrier.arrive $0xFFFF;
	(pc) =	sbr.rel @p0 .LBB2_1-.Ltmp1, $4  }
0x35: {  	[hbm:s9], [sflag:s6] =	dma.local [spmem:s11], $0x2710  }
0x36: {  	_ =	swait.ge [sflag:s12], $0x2710  }
0x37: {  	[sflag:s12] =	ssyncset.done $0x0  }
0x38: {  	[sflag:s12] =	ssyncadd.s32 $0xFFFFD8F0  }
0x39: {  	_ =	sfence.sel $0x180000  }
0x3a: {  	[bflag:$0x0] =	sbarrier.arrive $0xFFFF  }
0x3b: {  	p0 =	sne.s32 s0, $0x0;
	_ =	strace $0x90000047  }
0x3c: {  	s0 =	sadd.s32 @!p0 $0x100000, s2;
	[bflag:$0x2] =	sbarrier.arrive $0xFFFF  }
0x3d: {  	[sflag:s0] =	ssyncadd.tile.s32 @!p0 $0x1;
	_ =	shalt  }
.Lfunc_end2:
_tile_overlayer_lowered:
.L_overlay_start_2:
0x3e: {  	(tag) =	ssettag $0x2  }
0x3f: {  	s0 =	rddreg [dreg:$0x0];
	s2 =	stileid.u32  }
0x40: {  	s1 =	rddreg [dreg:$0x1];
	p0 =	sne.s32 s2, $0x0  }
0x41: {  	s3 =	rddreg [dreg:$0x2];
	[bflag:$0x3] =	sbarrier.arrive $0xFFFF;
	s2 =	simm.s32 @!p0 $0x1C01  }
0x42: {  	[timem:s3], [sflag:s2] =	dma.local @!p0 [hbm:s0], s1  }
0x43: {  	s0 =	simm.s32 @!p0 $0x1  }
0x44: {  	_ =	swait.ge @!p0 [sflag:s0], s1  }
0x45: {  	s1 =	ssub.s32 @!p0 $0x0, s1;
	[sflag:s0] =	ssyncset.done @!p0 $0x0  }
0x46: {  	[sflag:s0] =	ssyncadd.s32 @!p0 s1  }
0x47: {  	[bflag:$0x3] =	sbarrier.arrive $0xFFFF  }
0x48: {  	_ =	shalt  }

// kernel: kernel.9.cloned.1.call-start
scs
__scs_entry_jumppad:
0x0: {  	(pc) =	sbr.rel $0x88, $3  }
0x1: {  	(tag) =	ssettag $0x0;
	lr =	simm.s32 $0x1  }
0x2: {  	[smem:$0x3F99] =	sst lr;
	_ =	strace $0xD0000000  }
0x3: {  	_ = 	snop  }
0x4: {  	_ = 	snop  }
0x5: {  	_ = 	snop  }
0x6: {  	_ = 	snop  }
0x7: {  	_ = 	snop  }
__scs_overlays_trampoline_lowered:
0x8: {  	[smem:$0x3FA8] =	sst s0  }
0x9: {  	[smem:$0x3FA9] =	sst s1  }
0xa: {  	[smem:$0x3FAA] =	sst s2  }
0xb: {  	[smem:$0x3FAB] =	sst s3  }
0xc: {  	[smem:$0x3FAC] =	sst s4  }
0xd: {  	[smem:$0x3FAD] =	sst s5  }
0xe: {  	[smem:$0x3FAE] =	sst s6  }
0xf: {  	[smem:$0x3FAF] =	sst s7  }
0x10: {  	[smem:$0x3FB0] =	sst s8  }
0x11: {  	[smem:$0x3FB1] =	sst s9;
	s0 =	simm.s32 @!p0 $0x0  }
0x12: {  	s1 =	sld [smem:$0x3F97];
	s0 =	simm.s32 @p0 $0x1  }
0x13: {  	[smem:$0x3FB2] =	sst s0;
	s0 =	simm.s32 @!p1 $0x0  }
0x14: {  	s2 =	sld [smem:$0x3F96];
	s0 =	simm.s32 @p1 $0x1  }
0x15: {  	[smem:$0x3FB3] =	sst s0;
	s0 =	simm.s32 @!p2 $0x0  }
0x16: {  	s3 =	sld [smem:$0x3FDB];
	s0 =	simm.s32 @p2 $0x1  }
0x17: {  	s4 =	simm.s32 $0x1BF5;
	[smem:$0x3FB5] =	sst s0  }
0x18: {  	s0 =	sld [smem:$0x3F98];
	_ =	swait.ge [sflag:s4], $0x0  }
0x19: {  	s7 =	sld [smem:$0x3F99]  }
0x1a: {  	s8 =	sadd.s32 $0xFFFFE003, lr  }
0x1b: {  	s9 =	sadd.s32 $0xFFFFFEF7, lr;
	s5 =	simm.s32 $0xFFFFFFFF;
	p2 =	slt.u32 s8, $0xFFFFF086  }
0x1c: {  	p1 =	slt.u32 s9, $0xF7A;
	s5 =	simm.s32 @!p2 $0x0  }
0x1d: {  	s5 =	simm.s32 @p1 $0x1;
	p0 =	seq.s32 s7, s2  }
0x1e: {  	s7 =	smul.u32 @!p0 $0xF7A, s2;
	p2 =	seq.s32 @!p0 s5, $0x0  }
0x1f: {  	s9 =	smul.u32 $0xF7A, s1;
	s8 =	simm.s32 @!p0 $0x1BF5;
	p2 =	por !p2, p0  }
0x20: {  	[sflag:s8] =	ssyncset.s32 @!p0 $0xFFFFF086;
	s6 =	sadd.s32 @!p0 s3, s7;
	s7 =	simm.s32 @!p0 $0x108  }
0x21: {  	s3 =	sadd.s32 s3, s9;
	s6 =	sadd.s32 @!p0 $0x88, s6;
	s7 =	simm.s32 @p2 $0x1082  }
0x22: {  	[simem:s7], [sflag:s8] =	dma.local @!p0 [hbm:s6], $0xF7A  }
0x23: {  	s9 =	sor.u32 $0xD0000000, s2;
	s6 =	simm.s32 $0x108;
	_ =	swait.ge @!p0 [sflag:s8], $0x0  }
0x24: {  	s3 =	sadd.s32 $0x88, s3;
	s6 =	simm.s32 @!p1 $0x1082;
	[sflag:s4] =	ssyncset.s32 $0xFFFFF086  }
0x25: {  	[simem:s6], [sflag:s4] =	dma.local [hbm:s3], $0xF7A  }
0x26: {  	[smem:$0x3F99] =	sst s1;
	(tag) =	ssettag s2;
	_ =	strace s9  }
0x27: {  	s1 =	sld [smem:$0x3FA9]  }
0x28: {  	s2 =	sld [smem:$0x3FAA]  }
0x29: {  	s4 =	sld [smem:$0x3FAC]  }
0x2a: {  	p0 =	seq.s32 s5, $0x0;
	s5 =	sld [smem:$0x3FAD]  }
0x2b: {  	s6 =	sld [smem:$0x3FAE]  }
0x2c: {  	s7 =	sld [smem:$0x3FAF]  }
0x2d: {  	s3 =	simm.s32 $0x108;
	s8 =	sld [smem:$0x3FB0]  }
0x2e: {  	s3 =	simm.s32 @!p0 $0x1082;
	s9 =	sld [smem:$0x3FB1]  }
0x2f: {  	lr =	sadd.s32 s0, s3;
	s0 =	sld [smem:$0x3FA8]  }
0x30: {  	s3 =	sld [smem:$0x3FAB]  }
0x31: {  	[smem:$0x3FB4] =	sst s10  }
0x32: {  	s10 =	sld [smem:$0x3FB2];
	_ =	sdelay $0x3  }
0x33: {  	p0 =	seq.s32 s10, $0x1;
	s10 =	sld [smem:$0x3FB4];
	_ =	sdelay $0x3  }
0x34: {  	[smem:$0x3FB4] =	sst s10  }
0x35: {  	s10 =	sld [smem:$0x3FB3];
	_ =	sdelay $0x3  }
0x36: {  	p1 =	seq.s32 s10, $0x1;
	s10 =	sld [smem:$0x3FB4];
	_ =	sdelay $0x3  }
0x37: {  	[smem:$0x3FB4] =	sst s10  }
0x38: {  	s10 =	sld [smem:$0x3FB5]  }
0x39: {  	_ = 	snop;
	(pc) =	sbr.ind lr, $3  }
0x3a: {  	_ = 	snop  }
0x3b: {  	_ = 	snop  }
0x3c: {  	p2 =	seq.s32 s10, $0x1;
	s10 =	sld [smem:$0x3FB4]  }
0x3d: {  	_ =	shalt  }
0x3e: {  	_ =	shalt  }
0x3f: {  	_ =	shalt  }
0x40: {  	_ =	shalt  }
0x41: {  	_ =	shalt  }
0x42: {  	_ =	shalt  }
0x43: {  	_ =	shalt  }
0x44: {  	_ =	shalt  }
0x45: {  	_ =	shalt  }
0x46: {  	_ =	shalt  }
0x47: {  	_ =	shalt  }
0x48: {  	_ =	shalt  }
0x49: {  	_ =	shalt  }
0x4a: {  	_ =	shalt  }
0x4b: {  	_ =	shalt  }
0x4c: {  	_ =	shalt  }
0x4d: {  	_ =	shalt  }
0x4e: {  	_ =	shalt  }
0x4f: {  	_ =	shalt  }
0x50: {  	_ =	shalt  }
0x51: {  	_ =	shalt  }
0x52: {  	_ =	shalt  }
0x53: {  	_ =	shalt  }
0x54: {  	_ =	shalt  }
0x55: {  	_ =	shalt  }
0x56: {  	_ =	shalt  }
0x57: {  	_ =	shalt  }
0x58: {  	_ =	shalt  }
0x59: {  	_ =	shalt  }
0x5a: {  	_ =	shalt  }
0x5b: {  	_ =	shalt  }
0x5c: {  	_ =	shalt  }
0x5d: {  	_ =	shalt  }
0x5e: {  	_ =	shalt  }
0x5f: {  	_ =	shalt  }
0x60: {  	_ =	shalt  }
0x61: {  	_ =	shalt  }
0x62: {  	_ =	shalt  }
0x63: {  	_ =	shalt  }
0x64: {  	_ =	shalt  }
0x65: {  	_ =	shalt  }
0x66: {  	_ =	shalt  }
0x67: {  	_ =	shalt  }
0x68: {  	_ =	shalt  }
0x69: {  	_ =	shalt  }
0x6a: {  	_ =	shalt  }
0x6b: {  	_ =	shalt  }
0x6c: {  	_ =	shalt  }
0x6d: {  	_ =	shalt  }
0x6e: {  	_ =	shalt  }
0x6f: {  	_ =	shalt  }
0x70: {  	_ =	shalt  }
0x71: {  	_ =	shalt  }
0x72: {  	_ =	shalt  }
0x73: {  	_ =	shalt  }
0x74: {  	_ =	shalt  }
0x75: {  	_ =	shalt  }
0x76: {  	_ =	shalt  }
0x77: {  	_ =	shalt  }
0x78: {  	_ =	shalt  }
0x79: {  	_ =	shalt  }
0x7a: {  	_ =	shalt  }
0x7b: {  	_ =	shalt  }
0x7c: {  	_ =	shalt  }
0x7d: {  	_ =	shalt  }
0x7e: {  	_ =	shalt  }
0x7f: {  	_ =	shalt  }
0x80: {  	_ =	shalt  }
0x81: {  	_ =	shalt  }
0x82: {  	_ =	shalt  }
0x83: {  	_ =	shalt  }
0x84: {  	_ =	shalt  }
0x85: {  	_ =	shalt  }
0x86: {  	_ =	shalt  }
0x87: {  	_ =	shalt  }
.Lfunc_end0:
.L_simem_size_0:
called_computation.1_lowered:
.L_overlay_start_0:
0x88: {  	s2 =	sld [smem:$0x3FD9]  }
0x89: {  	s3 =	sld [smem:$0x3FFE];
	_ =	sdelay $0x1  }
0x8a: {  	s1 =	srdreg.scid  }
0x8b: {  	s0 =	sand.u32 $0x1, s1  }
0x8c: {  	s16 =	sshll.u32 s0, $0xA;
	s2 =	sadd.s32 s3, s2  }
0x8d: {  	s2 =	sadd.s32 s2, s16  }
0x8e: {  	[smem:$0x3FC0] =	sst s2  }
0x8f: {  	_ = 	snop  }
0x90: {  	(tm) =	ssettm $0x1  }
0x91: {  	s17 =	sld [smem:$0x3FFB];
	_ =	sdelay $0x3  }
0x92: {  	_ =	strace s17  }
0x93: {  	s2 =	sld [smem:$0x3FFC];
	_ =	sdelay $0x3  }
0x94: {  	_ =	strace s2  }
0x95: {  	s2 =	sld [smem:$0x3FFD];
	_ =	sdelay $0x3  }
0x96: {  	_ =	strace s2  }
0x97: {  	_ =	strace $0x8FFFFFFF  }
0x98: {  	s18 =	sld [smem:$0x3FDB];
	_ =	sdelay $0x1  }
0x99: {  	s19 =	simm.s32 $_scs_section_size  }
0x9a: {  	s4 =	simm.s32 $_size__tile_overlayer_lowered;
	s5 =	simm.s32 $_tile_overlayer_lowered  }
0x9b: {  	s22 =	simm.s32 $0x1BFF;
	s21 =	sshll.u32 s5, $0x1;
	s2 =	sadd.s32 s19, s18  }
0x9c: {  	s6 =	simm.s32 $0x0;
	s20 =	sshll.u32 s4, $0x1;
	s4 =	sadd.s32 s21, s2  }
0x9d: {  	[timem:s6], [sflag:s22] =	dma.local [hbm:s4], s20  }
0x9e: {  	_ =	swait.ge [sflag:s22], s20  }
0x9f: {  	s3 =	ssub.s32 $0x0, s20;
	[sflag:s22] =	ssyncset.done $0x0  }
0xa0: {  	[sflag:s22] =	ssyncadd.s32 s3;
	_ =	sdelay $0x1  }
0xa1: {  	s23 =	simm.s32 $0x1B8B  }
0xa2: {  	_ =	swait.ge [sflag:s23], $0x1  }
0xa3: {  	[sflag:s23] =	ssyncset.done $0x0  }
0xa4: {  	s25 =	simm.s32 $0x1B8E;
	s24 =	sld [smem:$0x3FFE];
	[sflag:s23] =	ssyncadd.s32 $0xFFFFFFFF  }
0xa5: {  	s26 =	simm.s32 $execute0_lowered;
	[smem:$0x3FD2] =	sst s25  }
0xa6: {  	s4 =	sshll.u32 s26, $0x1;
	_ =	strace $0x80000049;
	[dreg:$0x1] =	wrdreg $0xFFFFFFFF  }
0xa7: {  	s28 =	simm.s32 $_size_execute0_lowered;
	s2 =	sadd.s32 s2, s4;
	[dreg:$0x0] =	wrdreg $0x0  }
0xa8: {  	s4 =	sshll.u32 s28, $0x1;
	[dreg:$0x2] =	wrdreg s2  }
0xa9: {  	[dreg:$0x3] =	wrdreg s4  }
0xaa: {  	[dreg:$0x4] =	wrdreg $0xC0  }
0xab: {  	_ =	task [dreg:s6], $0x5FFFF  }
0xac: {  	[dreg:$0x1] =	wrdreg $0xFFFFFFFF  }
0xad: {  	[dreg:$0x0] =	wrdreg $0x60  }
0xae: {  	[dreg:$0x2] =	wrdreg s24  }
0xaf: {  	[dreg:$0x3] =	wrdreg $0x76200  }
0xb0: {  	[dreg:$0x4] =	wrdreg $0x9  }
0xb1: {  	_ =	task.clear_ibuf [dreg:s6], $0x5FFFF;
	_ =	strace $0x90000049  }
0xb2: {  	s29 =	simm.s32 $0x9;
	_ =	strace $0x8000004B  }
0xb3: {  	_ =	swait.ge [sflag:s29], $0x1  }
0xb4: {  	[sflag:s29] =	ssyncadd.s32 $0xFFFFFFFF  }
0xb5: {  	_ =	strace $0x9000004B  }
0xb6: {  	_ =	sfence  }
0xb7: {  	s30 =	sld [smem:$0x0];
	_ =	sdelay $0x2  }
0xb8: {  	s31 =	sshll.u32 s1, $0xD;
	s1 =	sshrl.u32 s1, $0x2  }
0xb9: {  	s3 =	sand.u32 $0x4000, s31;
	s1 =	sadd.s32 s1, s30  }
0xba: {  	s0 =	sor.u32 s3, s0;
	s1 =	sshll.u32 s1, $0x11  }
0xbb: {  	s0 =	sor.u32 s1, s0  }
0xbc: {  	s0 =	sadd.s32 $0x8F2B, s0  }
0xbd: {  	[sflag:s0] =	ssyncadd.remote.s32 $0x1  }
0xbe: {  	_ =	sfence.sel $0xFFFF  }
0xbf: {  	[dreg:$0x0] =	wrdreg $0xFFFFFFFF;
	(pc) =	sbr.abs _section_cstart, $3  }
0xc0: {  	[dreg:$0x1] =	wrdreg $0xFFFFFFFF  }
0xc1: {  	_ =	task.clear_ibuf [dreg:s6], $0x2FFFF;
	_ =	strace $0x9FFFFFFF  }
0xc2: {  	(tm) =	ssettm $0x7FFFFFFF  }
0xc3: {  	_ =	shalt  }
tec
execute0_lowered:
.L_overlay_start_1:
0x0: {  	(tag) =	ssettag $0x1  }
0x1: {  	s6 =	rddreg [dreg:$0x0]  }
0x2: {  	s0 =	srdreg.scid;
	s2 =	rddreg [dreg:$0x1]  }
0x3: {  	s3 =	simm.s32 $0x0;
	s14 =	simm.s32 $0x50;
	s15 =	simm.s32 $0x4E20  }
0x4: {  	s16 =	simm.s32 $0x0;
	s5 =	sand.u32 $0x1, s0;
	s0 =	stileid.u32  }
0x5: {  	[smem:$0x7FF] =	sst s3;
	s4 =	sadd.s32 $0x18600, s6;
	s8 =	smul.u32 $0x13880, s0  }
0x6: {  	s1 =	sshll.u32 s5, $0x4;
	s9 =	smul.u32 $0x138800, s5;
	s30 =	ssub.s32 $0x2, s5  }
0x7: {  	s5 =	sadd.s32 $0x15E00, s6;
	s31 =	sshll.u32 s0, $0x6;
	s1 =	sor.u32 s0, s1  }
0x8: {  	s11 =	sshrl.u32 s30, $0x1;
	s7 =	smul.u32 $0x4E2, s1;
	s1 =	rddreg [dreg:$0x2]  }
0x9: {  	_ =	strace $0x8000004A;
	s29 =	sadd.s32 s8, s9;
	s11 =	ssub.s32 s30, s11  }
0xa: {  	s13 =	sadd.s32 s8, s2;
	s10 =	sadd.s32 s7, s6;
	s7 =	sshrl.u32 s29, $0x3  }
0xb: {  	s12 =	sadd.s32 s7, s6;
	s6 =	sor.u32 $0x1C01, s31;
	s7 =	sadd.s32 $0xC000, s10  }
0xc: {  	s8 =	sadd.s32 $0x2200, s10;
	s10 =	smax.u32 s11, $0x1;
	s11 =	sshrl.u32 s13, $0x3  }
0xd: {  	s13 =	simm.s32 $0x2710;
	s9 =	sadd.s32 $0x3F800, s12;
	s12 =	simm.s32 $0x1  }
.LBB2_1:
0xe: {  	[spmem:s11], [sflag:s6] =	dma.local [hbm:s5], $0x2710  }
0xf: {  	_ =	swait.ge [sflag:s12], $0x2710  }
0x10: {  	[sflag:s12] =	ssyncset.done $0x0  }
0x11: {  	[sflag:s12] =	ssyncadd.s32 $0xFFFFD8F0  }
0x12: {  	[tilespmem:s3], [sflag:$0x1] =	stream.linear.gather [hbm4b:s7+s3], $0x2710, $0x38;
	[tilespmem:$0x1AEA0] =	vst v63  }
0x13: {  	_ =	swait.ge [sflag:s12], $0x2710  }
0x14: {  	[sflag:s12] =	ssyncset.done $0x0  }
0x15: {  	[sflag:s12] =	ssyncadd.s32 $0xFFFFD8F0  }
0x16: {  	[tilespmem:s13], [sflag:$0x1] =	stream.linear.gather [hbm4b:s8+s3], $0x2710, $0x38;
	[tilespmem:$0x1AEA0] =	vst v63  }
0x17: {  	_ =	swait.ge [sflag:s12], $0x2710  }
0x18: {  	[sflag:s12] =	ssyncset.done $0x0  }
0x19: {  	[sflag:s12] =	ssyncadd.s32 $0xFFFFD8F0  }
0x1a: {  	s17 =	simm.s32 $0x0;
	[bflag:$0x0] =	sbarrier.arrive $0xFFFF  }
0x1b: {  	[tilespmem:s15], [sflag:$0x1] =	stream.indirect.gather [hbm4b:s4+s14], $0x80, s17, s14, $0xb8;
	[tilespmem:$0x1AEA0] =	vst v63  }
0x1c: {  	_ =	swait.ge [sflag:s12], $0x2800  }
0x1d: {  	[sflag:s12] =	ssyncset.done $0x0  }
0x1e: {  	s31 =	simm.s32 $0x2710;
	[sflag:s12] =	ssyncadd.s32 $0xFFFFD800  }
0x1f: {  	[spmem:s2] =	stream.indirect.scatter.add.f32 [tilespmem:s15], [sflag:$0x1], $0x80, s31, s14, $0xb8;
	[tilespmem:$0x1AEA0] =	vst v63  }
0x20: {  	_ =	swait.ge [sflag:s12], $0x2800  }
0x21: {  	s18 =	simm.s32 $0x280;
	s17 =	simm.s32 $0x140;
	[sflag:s12] =	ssyncset.done $0x0  }
.LBB2_2:
0x22: {  	s19 =	sshra.s32 s17, $0x2  }
0x23: {  	[sflag:s12] =	ssyncadd.s32 $0xFFFFD800;
	s17 =	smov.u32 s18;
	s20 =	sadd.s32 $0x140, s18  }
0x24: {  	[tilespmem:s15], [sflag:$0x1] =	stream.indirect.gather [hbm4b:s4+s14], $0x80, s19, s14, $0xb8;
	[tilespmem:$0x1AEA0] =	vst v63  }
0x25: {  	p0 =	sne.s32 s18, $0x9B00;
	_ =	swait.ge [sflag:s12], $0x2800  }
.Ltmp0:
0x26: {  	[sflag:s12] =	ssyncset.done $0x0;
	(pc) =	sbr.rel @p0 .LBB2_2-.Ltmp0, $4  }
0x27: {  	s18 =	sadd.s32 $0x2710, s19;
	[sflag:s12] =	ssyncadd.s32 $0xFFFFD800  }
0x28: {  	[spmem:s2] =	stream.indirect.scatter.add.f32 [tilespmem:s15], [sflag:$0x1], $0x80, s18, s14, $0xb8;
	[tilespmem:$0x1AEA0] =	vst v63  }
0x29: {  	_ =	swait.ge [sflag:s12], $0x2800  }
0x2a: {  	s18 =	smov.u32 s20;
	[sflag:s12] =	ssyncset.done $0x0  }
0x2b: {  	s17 =	sshra.s32 s17, $0x2;
	[sflag:s12] =	ssyncadd.s32 $0xFFFFD800  }
0x2c: {  	[tilespmem:s15], [sflag:$0x1] =	stream.indirect.gather [hbm4b:s4+s14], $0x80, s17, s14, $0xb8;
	[tilespmem:$0x1AEA0] =	vst v63  }
0x2d: {  	_ =	swait.ge [sflag:s12], $0x2800  }
0x2e: {  	[sflag:s12] =	ssyncset.done $0x0  }
0x2f: {  	s17 =	sadd.s32 $0x2710, s17;
	[sflag:s12] =	ssyncadd.s32 $0xFFFFD800  }
0x30: {  	[spmem:s2] =	stream.indirect.scatter.add.f32 [tilespmem:s15], [sflag:$0x1], $0x80, s17, s14, $0xb8;
	[tilespmem:$0x1AEA0] =	vst v63  }
0x31: {  	_ =	swait.ge [sflag:s12], $0x2800  }
0x32: {  	s16 =	sadd.s32 $0x1, s16;
	[sflag:s12] =	ssyncset.done $0x0  }
0x33: {  	p0 =	sne.s32 s16, s10;
	[sflag:s12] =	ssyncadd.s32 $0xFFFFD800  }
.Ltmp1:
0x34: {  	[bflag:$0x0] =	sbarrier.arrive $0xFFFF;
	(pc) =	sbr.rel @p0 .LBB2_1-.Ltmp1, $4  }
0x35: {  	[hbm:s9], [sflag:s6] =	dma.local [spmem:s11], $0x2710  }
0x36: {  	_ =	swait.ge [sflag:s12], $0x2710  }
0x37: {  	[sflag:s12] =	ssyncset.done $0x0  }
0x38: {  	[sflag:s12] =	ssyncadd.s32 $0xFFFFD8F0  }
0x39: {  	_ =	sfence.sel $0x180000  }
0x3a: {  	[bflag:$0x0] =	sbarrier.arrive $0xFFFF  }
0x3b: {  	p0 =	sne.s32 s0, $0x0;
	_ =	strace $0x9000004A  }
0x3c: {  	s0 =	sadd.s32 @!p0 $0x100000, s1;
	[bflag:$0x2] =	sbarrier.arrive $0xFFFF  }
0x3d: {  	[sflag:s0] =	ssyncadd.tile.s32 @!p0 $0x1;
	_ =	shalt  }
.Lfunc_end2:
_tile_overlayer_lowered:
.L_overlay_start_2:
0x3e: {  	(tag) =	ssettag $0x2  }
0x3f: {  	s0 =	rddreg [dreg:$0x0];
	s2 =	stileid.u32  }
0x40: {  	s1 =	rddreg [dreg:$0x1];
	p0 =	sne.s32 s2, $0x0  }
0x41: {  	s3 =	rddreg [dreg:$0x2];
	[bflag:$0x3] =	sbarrier.arrive $0xFFFF;
	s2 =	simm.s32 @!p0 $0x1C01  }
0x42: {  	[timem:s3], [sflag:s2] =	dma.local @!p0 [hbm:s0], s1  }
0x43: {  	s0 =	simm.s32 @!p0 $0x1  }
0x44: {  	_ =	swait.ge @!p0 [sflag:s0], s1  }
0x45: {  	s1 =	ssub.s32 @!p0 $0x0, s1;
	[sflag:s0] =	ssyncset.done @!p0 $0x0  }
0x46: {  	[sflag:s0] =	ssyncadd.s32 @!p0 s1  }
0x47: {  	[bflag:$0x3] =	sbarrier.arrive $0xFFFF  }
0x48: {  	_ =	shalt  }

</sc_bundles>
